<compile_context>
chip_gen: v7x
topology: tpu7x:2x2x1
jax: 0.10.2.dev20260603
libtpu: 0.0.44.dev20260713+nightly
codegen_flags: <defaults>
</compile_context>

<pallas_src>
import functools

import jax
import jax.numpy as jnp
from jax import lax
from jax.experimental import pallas as pl
from jax.experimental.pallas import tpu as pltpu
from jax.experimental.pallas import tpu_sc as plsc

D_MODEL = 512
N_ROWS = 4096
N_COLS = 50

_info = plsc.get_sparse_core_info()
_NC, _NS = _info.num_cores, _info.num_subcores
_NW = _NC * _NS
_IBLK = N_ROWS // _NW
_CHUNK = 32
_NBUF = 6
_CPP = _IBLK // _CHUNK
_N_ITEMS = N_COLS * _CPP


def _build():
    mesh = plsc.VectorSubcoreMesh(core_axis_name="c", subcore_axis_name="s")

    @functools.partial(
        pl.kernel,
        out_type=jax.ShapeDtypeStruct((N_COLS, N_ROWS, D_MODEL), jnp.float32),
        mesh=mesh,
        scratch_types=[
            pltpu.VMEM((N_COLS, _IBLK), jnp.int32),
            pltpu.SemaphoreType.DMA,
        ]
        + [pltpu.VMEM((_CHUNK, D_MODEL), jnp.float32)] * _NBUF
        + [pltpu.SemaphoreType.DMA] * (2 * _NBUF),
    )
    def emb(idx_hbm, table_hbm, out_hbm, idx_v, isem, *bufs_and_sems):
        bufs = bufs_and_sems[:_NBUF]
        gsems = bufs_and_sems[_NBUF:2 * _NBUF]
        wsems = bufs_and_sems[2 * _NBUF:]
        wid = lax.axis_index("s") * _NC + lax.axis_index("c")
        ibase = wid * _IBLK

        pltpu.make_async_copy(
            idx_hbm.at[:, pl.ds(ibase, _IBLK)], idx_v, isem).start()
        pltpu.make_async_copy(
            idx_hbm.at[:, pl.ds(0, _IBLK)], idx_v, isem).wait()

        def g_start(t, b):
            pltpu.make_async_copy(
                table_hbm.at[idx_v.at[t // _CPP, pl.ds((t % _CPP) * _CHUNK, _CHUNK)]],
                bufs[b], gsems[b]).start()

        def g_wait(b):
            pltpu.make_async_copy(
                table_hbm.at[idx_v.at[0, pl.ds(0, _CHUNK)]],
                bufs[b], gsems[b]).wait()

        def w_start(t, b):
            j = t // _CPP
            c = t % _CPP
            pltpu.make_async_copy(
                bufs[b], out_hbm.at[j, pl.ds(ibase + c * _CHUNK, _CHUNK)],
                wsems[b]).start()

        def w_wait(b):
            pltpu.make_async_copy(
                bufs[b], out_hbm.at[0, pl.ds(0, _CHUNK)], wsems[b]).wait()

        n_steps = _N_ITEMS // _NBUF
        ahead = 4
        drain_lag = _NBUF - ahead
        for k in range(ahead):
            g_start(k, k)

        def body(i, carry):
            t0 = i * _NBUF
            for b in range(_NBUF):
                t = t0 + b
                g_wait(b)
                w_start(t, b)
                bn = (b + ahead) % _NBUF

                @pl.when(t + ahead < _N_ITEMS)
                def _arm():
                    @pl.when(t >= drain_lag)
                    def _drain():
                        w_wait(bn)

                    g_start(t + ahead, bn)

            return carry

        lax.fori_loop(0, n_steps, body, 0)
        for t in range(n_steps * _NBUF, _N_ITEMS):
            g_wait(t % _NBUF)
            w_start(t, t % _NBUF)
        for b in range(_NBUF):
            w_wait(b)

    return emb


_emb = _build()


def kernel(x, W):
    xt = jnp.transpose(x.astype(jnp.int32))
    return jnp.transpose(_emb(xt, W), (1, 0, 2))

# --- scband reference (transcript-rebuilt; emitter-appended) ---
"""Pipeline reference for scband-embedder-14121852469639 (READ-ONLY COPY).

The authoritative reference and input builder live on the scoring server;
editing this copy changes nothing except your own understanding.
"""

import jax, jax.numpy as jnp
import numpy as np

VOCAB = 100000
D_MODEL = 512

def setup_inputs(seed: int = 0) -> dict:
    key = jax.random.key(seed)
    k_idx, k_w = jax.random.split(key)
    x = jax.random.randint(k_idx, (4096, 50), 0, VOCAB, dtype=jnp.int64 if jax.config.jax_enable_x64 else jnp.int32)
    # nn.Embedding default init: N(0, 1)
    W = jax.random.normal(k_w, (VOCAB, D_MODEL), dtype=jnp.float32)
    return {"x": x, "W": W}

def reference(x, W):
    # nn.Embedding forward: gather rows of the table
    return jnp.take(W, x, axis=0)

if __name__ == "__main__":
    import jax
    _d = setup_inputs()
    print(jax.jit(kernel)(*tuple(_d.values())))

</pallas_src>

<mosaic_0001>
#map = affine_map<(d0, d1) -> (0, 0)>
#map1 = affine_map<(d0, d1) -> (0, 0, 0)>
module attributes {stable_mosaic.version = 14 : i64} {
  func.func @emb(%arg0: i32, %arg1: i32, %arg2: memref<50x4096xi32, #tpu.memory_space<hbm>>, %arg3: memref<100000x512xf32, #tpu.memory_space<hbm>>, %arg4: memref<50x4096x512xf32, #tpu.memory_space<hbm>>, %arg5: memref<50x128xi32, #tpu.memory_space<vmem>>, %arg6: memref<!tpu.dma_semaphore, #tpu.memory_space<semaphore_mem>>, %arg7: memref<32x512xf32, #tpu.memory_space<vmem>>, %arg8: memref<32x512xf32, #tpu.memory_space<vmem>>, %arg9: memref<32x512xf32, #tpu.memory_space<vmem>>, %arg10: memref<32x512xf32, #tpu.memory_space<vmem>>, %arg11: memref<32x512xf32, #tpu.memory_space<vmem>>, %arg12: memref<32x512xf32, #tpu.memory_space<vmem>>, %arg13: memref<!tpu.dma_semaphore, #tpu.memory_space<semaphore_mem>>, %arg14: memref<!tpu.dma_semaphore, #tpu.memory_space<semaphore_mem>>, %arg15: memref<!tpu.dma_semaphore, #tpu.memory_space<semaphore_mem>>, %arg16: memref<!tpu.dma_semaphore, #tpu.memory_space<semaphore_mem>>, %arg17: memref<!tpu.dma_semaphore, #tpu.memory_space<semaphore_mem>>, %arg18: memref<!tpu.dma_semaphore, #tpu.memory_space<semaphore_mem>>, %arg19: memref<!tpu.dma_semaphore, #tpu.memory_space<semaphore_mem>>, %arg20: memref<!tpu.dma_semaphore, #tpu.memory_space<semaphore_mem>>, %arg21: memref<!tpu.dma_semaphore, #tpu.memory_space<semaphore_mem>>, %arg22: memref<!tpu.dma_semaphore, #tpu.memory_space<semaphore_mem>>, %arg23: memref<!tpu.dma_semaphore, #tpu.memory_space<semaphore_mem>>, %arg24: memref<!tpu.dma_semaphore, #tpu.memory_space<semaphore_mem>>) attributes {dimension_semantics = [#tpu.dimension_semantics<core_parallel>, #tpu.dimension_semantics<subcore_parallel>], iteration_bounds = array<i64: 2, 16>, scalar_prefetch = 0 : i64, scratch_operands = 20 : i64, tpu.core_type = #tpu.core_type<sc_vector_subcore>, window_params = [{transform_indices = #map}, {transform_indices = #map}, {transform_indices = #map1}]} {
    %mul3A = arith.constant 2 : i32
    %mul3A_0 = arith.muli %arg1, %mul3A : i32
    %add3A = arith.addi %mul3A_0, %arg0 : i32
    %mul3A_1 = arith.constant 128 : i32
    %mul3A_2 = arith.muli %add3A, %mul3A_1 : i32
    %dma_start3A = arith.constant 0 : i32
    %dma_start3A_3 = tpu.memref_slice %arg2[%dma_start3A, %mul3A_2] : memref<50x4096xi32, #tpu.memory_space<hbm>> -> memref<50x128xi32, #tpu.memory_space<hbm>>
    %dma_start3A_4 = arith.constant 0 : i32
    %dma_start3A_5 = tpu.memref_slice %arg2[%dma_start3A_4, %mul3A_2] : memref<50x4096xi32, #tpu.memory_space<hbm>> -> memref<50x128xi32, #tpu.memory_space<hbm>>
    tpu.enqueue_dma source(%dma_start3A_5 : memref<50x128xi32, #tpu.memory_space<hbm>>) target(%arg5 : memref<50x128xi32, #tpu.memory_space<vmem>>) target_semaphore(%arg6 : memref<!tpu.dma_semaphore, #tpu.memory_space<semaphore_mem>>)
    %dma_wait3A = arith.constant 0 : i32
    %dma_wait3A_6 = arith.constant 0 : i32
    %dma_wait3A_7 = tpu.memref_slice %arg2[%dma_wait3A, %dma_wait3A_6] : memref<50x4096xi32, #tpu.memory_space<hbm>> -> memref<50x128xi32, #tpu.memory_space<hbm>>
    %dma_wait3A_8 = arith.constant 0 : i32
    %dma_wait3A_9 = arith.constant 0 : i32
    %dma_wait3A_10 = tpu.memref_slice %arg2[%dma_wait3A_8, %dma_wait3A_9] : memref<50x4096xi32, #tpu.memory_space<hbm>> -> memref<50x128xi32, #tpu.memory_space<hbm>>
    tpu.wait_dma2 semaphore(%arg6 : memref<!tpu.dma_semaphore, #tpu.memory_space<semaphore_mem>>) src(%dma_wait3A_10 : memref<50x128xi32, #tpu.memory_space<hbm>>) dst(%arg5 : memref<50x128xi32, #tpu.memory_space<vmem>>)
    %dma_start3A_11 = arith.constant 0 : i32
    %dma_start3A_12 = arith.constant 0 : i32
    %dma_start3A_13 = tpu.memref_slice %arg5[%dma_start3A_11, %dma_start3A_12] : memref<50x128xi32, #tpu.memory_space<vmem>> -> memref<1x32xi32, #tpu.memory_space<vmem>>
    %dma_start3A_14 = tpu.memref_squeeze %dma_start3A_13 : memref<1x32xi32, #tpu.memory_space<vmem>> -> memref<32xi32, #tpu.memory_space<vmem>>
    %dma_start3A_15 = arith.constant 0 : i32
    %dma_start3A_16 = arith.constant 0 : i32
    %dma_start3A_17 = tpu.memref_slice %arg3[%dma_start3A_15, %dma_start3A_16] : memref<100000x512xf32, #tpu.memory_space<hbm>> -> memref<100000x512xf32, #tpu.memory_space<hbm>>
    tpu.enqueue_indirect_dma source(%dma_start3A_17 : memref<100000x512xf32, #tpu.memory_space<hbm>>) target(%arg7 : memref<32x512xf32, #tpu.memory_space<vmem>>) offsets(%dma_start3A_14 : memref<32xi32, #tpu.memory_space<vmem>>) semaphore(%arg13 : memref<!tpu.dma_semaphore, #tpu.memory_space<semaphore_mem>>)
    %dma_start3A_18 = arith.constant 0 : i32
    %dma_start3A_19 = arith.constant 32 : i32
    %dma_start3A_20 = tpu.memref_slice %arg5[%dma_start3A_18, %dma_start3A_19] : memref<50x128xi32, #tpu.memory_space<vmem>> -> memref<1x32xi32, #tpu.memory_space<vmem>>
    %dma_start3A_21 = tpu.memref_squeeze %dma_start3A_20 : memref<1x32xi32, #tpu.memory_space<vmem>> -> memref<32xi32, #tpu.memory_space<vmem>>
    %dma_start3A_22 = arith.constant 0 : i32
    %dma_start3A_23 = arith.constant 0 : i32
    %dma_start3A_24 = tpu.memref_slice %arg3[%dma_start3A_22, %dma_start3A_23] : memref<100000x512xf32, #tpu.memory_space<hbm>> -> memref<100000x512xf32, #tpu.memory_space<hbm>>
    tpu.enqueue_indirect_dma source(%dma_start3A_24 : memref<100000x512xf32, #tpu.memory_space<hbm>>) target(%arg8 : memref<32x512xf32, #tpu.memory_space<vmem>>) offsets(%dma_start3A_21 : memref<32xi32, #tpu.memory_space<vmem>>) semaphore(%arg14 : memref<!tpu.dma_semaphore, #tpu.memory_space<semaphore_mem>>)
    %dma_start3A_25 = arith.constant 0 : i32
    %dma_start3A_26 = arith.constant 64 : i32
    %dma_start3A_27 = tpu.memref_slice %arg5[%dma_start3A_25, %dma_start3A_26] : memref<50x128xi32, #tpu.memory_space<vmem>> -> memref<1x32xi32, #tpu.memory_space<vmem>>
    %dma_start3A_28 = tpu.memref_squeeze %dma_start3A_27 : memref<1x32xi32, #tpu.memory_space<vmem>> -> memref<32xi32, #tpu.memory_space<vmem>>
    %dma_start3A_29 = arith.constant 0 : i32
    %dma_start3A_30 = arith.constant 0 : i32
    %dma_start3A_31 = tpu.memref_slice %arg3[%dma_start3A_29, %dma_start3A_30] : memref<100000x512xf32, #tpu.memory_space<hbm>> -> memref<100000x512xf32, #tpu.memory_space<hbm>>
    tpu.enqueue_indirect_dma source(%dma_start3A_31 : memref<100000x512xf32, #tpu.memory_space<hbm>>) target(%arg9 : memref<32x512xf32, #tpu.memory_space<vmem>>) offsets(%dma_start3A_28 : memref<32xi32, #tpu.memory_space<vmem>>) semaphore(%arg15 : memref<!tpu.dma_semaphore, #tpu.memory_space<semaphore_mem>>)
    %dma_start3A_32 = arith.constant 0 : i32
    %dma_start3A_33 = arith.constant 96 : i32
    %dma_start3A_34 = tpu.memref_slice %arg5[%dma_start3A_32, %dma_start3A_33] : memref<50x128xi32, #tpu.memory_space<vmem>> -> memref<1x32xi32, #tpu.memory_space<vmem>>
    %dma_start3A_35 = tpu.memref_squeeze %dma_start3A_34 : memref<1x32xi32, #tpu.memory_space<vmem>> -> memref<32xi32, #tpu.memory_space<vmem>>
    %dma_start3A_36 = arith.constant 0 : i32
    %dma_start3A_37 = arith.constant 0 : i32
    %dma_start3A_38 = tpu.memref_slice %arg3[%dma_start3A_36, %dma_start3A_37] : memref<100000x512xf32, #tpu.memory_space<hbm>> -> memref<100000x512xf32, #tpu.memory_space<hbm>>
    tpu.enqueue_indirect_dma source(%dma_start3A_38 : memref<100000x512xf32, #tpu.memory_space<hbm>>) target(%arg10 : memref<32x512xf32, #tpu.memory_space<vmem>>) offsets(%dma_start3A_35 : memref<32xi32, #tpu.memory_space<vmem>>) semaphore(%arg16 : memref<!tpu.dma_semaphore, #tpu.memory_space<semaphore_mem>>)
    %scan3A = arith.constant 0 : i32
    %scan3A_39 = arith.constant 0 : i32
    %scan3A_40 = arith.constant 33 : i32
    %scan3A_41 = arith.addi %scan3A_39, %scan3A_40 : i32
    %scan3A_42 = arith.constant 1 : i32
    scf.for %scan3A_130 = %scan3A_39 to %scan3A_41 step %scan3A_42  : i32 {
      %mul3A_131 = arith.constant 6 : i32
      %mul3A_132 = arith.muli %scan3A_130, %mul3A_131 : i32
      %add3A_133 = arith.constant 0 : i32
      %add3A_134 = arith.addi %mul3A_132, %add3A_133 : i32
      %dma_wait3A_135 = arith.constant 0 : i32
      %dma_wait3A_136 = arith.constant 0 : i32
      %dma_wait3A_137 = tpu.memref_slice %arg5[%dma_wait3A_135, %dma_wait3A_136] : memref<50x128xi32, #tpu.memory_space<vmem>> -> memref<1x32xi32, #tpu.memory_space<vmem>>
      %dma_wait3A_138 = tpu.memref_squeeze %dma_wait3A_137 : memref<1x32xi32, #tpu.memory_space<vmem>> -> memref<32xi32, #tpu.memory_space<vmem>>
      %dma_wait3A_139 = arith.constant 0 : i32
      %dma_wait3A_140 = arith.constant 0 : i32
      %dma_wait3A_141 = tpu.memref_slice %arg3[%dma_wait3A_139, %dma_wait3A_140] : memref<100000x512xf32, #tpu.memory_space<hbm>> -> memref<100000x512xf32, #tpu.memory_space<hbm>>
      tpu.wait_indirect_dma semaphore(%arg13 : memref<!tpu.dma_semaphore, #tpu.memory_space<semaphore_mem>>) src(%dma_wait3A_141 : memref<100000x512xf32, #tpu.memory_space<hbm>>) dst(%arg7 : memref<32x512xf32, #tpu.memory_space<vmem>>)
      %jit3A = arith.constant 4 : i32
      %div3A = arith.divsi %add3A_134, %jit3A : i32
      %sign3A = arith.constant 0 : i32
      %sign3A_142 = arith.cmpi sgt, %add3A_134, %sign3A : i32
      %sign3A_143 = arith.extui %sign3A_142 : i1 to i32
      %sign3A_144 = arith.constant 0 : i32
      %sign3A_145 = arith.cmpi slt, %add3A_134, %sign3A_144 : i32
      %sign3A_146 = arith.extui %sign3A_145 : i1 to i32
      %sign3A_147 = arith.subi %sign3A_143, %sign3A_146 : i32
      %sign3A_148 = arith.constant 0 : i32
      %sign3A_149 = arith.cmpi sgt, %jit3A, %sign3A_148 : i32
      %sign3A_150 = arith.extui %sign3A_149 : i1 to i32
      %sign3A_151 = arith.constant 0 : i32
      %sign3A_152 = arith.cmpi slt, %jit3A, %sign3A_151 : i32
      %sign3A_153 = arith.extui %sign3A_152 : i1 to i32
      %sign3A_154 = arith.subi %sign3A_150, %sign3A_153 : i32
      %ne3A = arith.cmpi ne, %sign3A_147, %sign3A_154 : i32
      %rem3A = arith.remsi %add3A_134, %jit3A : i32
      %ne3A_155 = arith.constant 0 : i32
      %ne3A_156 = arith.cmpi ne, %rem3A, %ne3A_155 : i32
      %and3A = arith.andi %ne3A, %ne3A_156 : i1
      %sub3A = arith.constant 1 : i32
      %sub3A_157 = arith.subi %div3A, %sub3A : i32
      %select_n3A = arith.select %and3A, %sub3A_157, %div3A : i32
      %jit3A_158 = arith.constant 4 : i32
      %eq3A = arith.constant 0 : i32
      %eq3A_159 = arith.cmpi eq, %jit3A_158, %eq3A : i32
      %jit3A_160 = arith.constant 1 : i32
      %select_n3A_161 = arith.select %eq3A_159, %jit3A_160, %jit3A_158 : i32
      %rem3A_162 = arith.remsi %add3A_134, %select_n3A_161 : i32
      %ne3A_163 = arith.constant 0 : i32
      %ne3A_164 = arith.cmpi ne, %rem3A_162, %ne3A_163 : i32
      %lt3A = arith.constant 0 : i32
      %lt3A_165 = arith.cmpi slt, %rem3A_162, %lt3A : i32
      %lt3A_166 = arith.constant 0 : i32
      %lt3A_167 = arith.cmpi slt, %select_n3A_161, %lt3A_166 : i32
      %ne3A_168 = arith.xori %lt3A_165, %lt3A_167 : i1
      %and3A_169 = arith.andi %ne3A_168, %ne3A_164 : i1
      %add3A_170 = arith.addi %rem3A_162, %select_n3A_161 : i32
      %select_n3A_171 = arith.select %and3A_169, %add3A_170, %rem3A_162 : i32
      %mul3A_172 = arith.constant 32 : i32
      %mul3A_173 = arith.muli %select_n3A_171, %mul3A_172 : i32
      %add3A_174 = arith.addi %mul3A_2, %mul3A_173 : i32
      %dma_start3A_175 = arith.constant 0 : i32
      %dma_start3A_176 = tpu.memref_slice %arg4[%select_n3A, %add3A_174, %dma_start3A_175] : memref<50x4096x512xf32, #tpu.memory_space<hbm>> -> memref<1x32x512xf32, #tpu.memory_space<hbm>>
      %dma_start3A_177 = tpu.memref_squeeze %dma_start3A_176 : memref<1x32x512xf32, #tpu.memory_space<hbm>> -> memref<32x512xf32, #tpu.memory_space<hbm>>
      %dma_start3A_178 = arith.constant 0 : i32
      %dma_start3A_179 = tpu.memref_slice %arg4[%select_n3A, %add3A_174, %dma_start3A_178] : memref<50x4096x512xf32, #tpu.memory_space<hbm>> -> memref<1x32x512xf32, #tpu.memory_space<hbm>>
      %dma_start3A_180 = tpu.memref_squeeze %dma_start3A_179 : memref<1x32x512xf32, #tpu.memory_space<hbm>> -> memref<32x512xf32, #tpu.memory_space<hbm>>
      tpu.enqueue_dma source(%arg7 : memref<32x512xf32, #tpu.memory_space<vmem>>) target(%dma_start3A_180 : memref<32x512xf32, #tpu.memory_space<hbm>>) target_semaphore(%arg19 : memref<!tpu.dma_semaphore, #tpu.memory_space<semaphore_mem>>)
      %add3A_181 = arith.constant 4 : i32
      %add3A_182 = arith.addi %add3A_134, %add3A_181 : i32
      %lt3A_183 = arith.constant 200 : i32
      %lt3A_184 = arith.cmpi slt, %add3A_182, %lt3A_183 : i32
      %convert_element_type3A = arith.extui %lt3A_184 : i1 to i32
      %cond3A = arith.constant 0 : i32
      %cond3A_185 = arith.cmpi ne, %convert_element_type3A, %cond3A : i32
      scf.if %cond3A_185 {
        %ge3A = arith.constant 2 : i32
        %ge3A_511 = arith.cmpi sge, %add3A_134, %ge3A : i32
        %convert_element_type3A_512 = arith.extui %ge3A_511 : i1 to i32
        %cond3A_513 = arith.constant 0 : i32
        %cond3A_514 = arith.cmpi ne, %convert_element_type3A_512, %cond3A_513 : i32
        scf.if %cond3A_514 {
          %dma_wait3A_564 = arith.constant 0 : i32
          %dma_wait3A_565 = arith.constant 0 : i32
          %dma_wait3A_566 = arith.constant 0 : i32
          %dma_wait3A_567 = tpu.memref_slice %arg4[%dma_wait3A_564, %dma_wait3A_565, %dma_wait3A_566] : memref<50x4096x512xf32, #tpu.memory_space<hbm>> -> memref<1x32x512xf32, #tpu.memory_space<hbm>>
          %dma_wait3A_568 = tpu.memref_squeeze %dma_wait3A_567 : memref<1x32x512xf32, #tpu.memory_space<hbm>> -> memref<32x512xf32, #tpu.memory_space<hbm>>
          %dma_wait3A_569 = arith.constant 0 : i32
          %dma_wait3A_570 = arith.constant 0 : i32
          %dma_wait3A_571 = tpu.memref_slice %arg4[%dma_wait3A_564, %dma_wait3A_569, %dma_wait3A_570] : memref<50x4096x512xf32, #tpu.memory_space<hbm>> -> memref<1x32x512xf32, #tpu.memory_space<hbm>>
          %dma_wait3A_572 = tpu.memref_squeeze %dma_wait3A_571 : memref<1x32x512xf32, #tpu.memory_space<hbm>> -> memref<32x512xf32, #tpu.memory_space<hbm>>
          tpu.wait_dma2 semaphore(%arg23 : memref<!tpu.dma_semaphore, #tpu.memory_space<semaphore_mem>>) src(%arg11 : memref<32x512xf32, #tpu.memory_space<vmem>>) dst(%dma_wait3A_572 : memref<32x512xf32, #tpu.memory_space<hbm>>)
        } else {
        }
        %add3A_515 = arith.constant 4 : i32
        %add3A_516 = arith.addi %add3A_134, %add3A_515 : i32
        %jit3A_517 = arith.constant 4 : i32
        %div3A_518 = arith.divsi %add3A_516, %jit3A_517 : i32
        %sign3A_519 = arith.constant 0 : i32
        %sign3A_520 = arith.cmpi sgt, %add3A_516, %sign3A_519 : i32
        %sign3A_521 = arith.extui %sign3A_520 : i1 to i32
        %sign3A_522 = arith.constant 0 : i32
        %sign3A_523 = arith.cmpi slt, %add3A_516, %sign3A_522 : i32
        %sign3A_524 = arith.extui %sign3A_523 : i1 to i32
        %sign3A_525 = arith.subi %sign3A_521, %sign3A_524 : i32
        %sign3A_526 = arith.constant 0 : i32
        %sign3A_527 = arith.cmpi sgt, %jit3A_517, %sign3A_526 : i32
        %sign3A_528 = arith.extui %sign3A_527 : i1 to i32
        %sign3A_529 = arith.constant 0 : i32
        %sign3A_530 = arith.cmpi slt, %jit3A_517, %sign3A_529 : i32
        %sign3A_531 = arith.extui %sign3A_530 : i1 to i32
        %sign3A_532 = arith.subi %sign3A_528, %sign3A_531 : i32
        %ne3A_533 = arith.cmpi ne, %sign3A_525, %sign3A_532 : i32
        %rem3A_534 = arith.remsi %add3A_516, %jit3A_517 : i32
        %ne3A_535 = arith.constant 0 : i32
        %ne3A_536 = arith.cmpi ne, %rem3A_534, %ne3A_535 : i32
        %and3A_537 = arith.andi %ne3A_533, %ne3A_536 : i1
        %sub3A_538 = arith.constant 1 : i32
        %sub3A_539 = arith.subi %div3A_518, %sub3A_538 : i32
        %select_n3A_540 = arith.select %and3A_537, %sub3A_539, %div3A_518 : i32
        %jit3A_541 = arith.constant 4 : i32
        %eq3A_542 = arith.constant 0 : i32
        %eq3A_543 = arith.cmpi eq, %jit3A_541, %eq3A_542 : i32
        %jit3A_544 = arith.constant 1 : i32
        %select_n3A_545 = arith.select %eq3A_543, %jit3A_544, %jit3A_541 : i32
        %rem3A_546 = arith.remsi %add3A_516, %select_n3A_545 : i32
        %ne3A_547 = arith.constant 0 : i32
        %ne3A_548 = arith.cmpi ne, %rem3A_546, %ne3A_547 : i32
        %lt3A_549 = arith.constant 0 : i32
        %lt3A_550 = arith.cmpi slt, %rem3A_546, %lt3A_549 : i32
        %lt3A_551 = arith.constant 0 : i32
        %lt3A_552 = arith.cmpi slt, %select_n3A_545, %lt3A_551 : i32
        %ne3A_553 = arith.xori %lt3A_550, %lt3A_552 : i1
        %and3A_554 = arith.andi %ne3A_553, %ne3A_548 : i1
        %add3A_555 = arith.addi %rem3A_546, %select_n3A_545 : i32
        %select_n3A_556 = arith.select %and3A_554, %add3A_555, %rem3A_546 : i32
        %mul3A_557 = arith.constant 32 : i32
        %mul3A_558 = arith.muli %select_n3A_556, %mul3A_557 : i32
        %dma_start3A_559 = tpu.memref_slice %arg5[%select_n3A_540, %mul3A_558] : memref<50x128xi32, #tpu.memory_space<vmem>> -> memref<1x32xi32, #tpu.memory_space<vmem>>
        %dma_start3A_560 = tpu.memref_squeeze %dma_start3A_559 : memref<1x32xi32, #tpu.memory_space<vmem>> -> memref<32xi32, #tpu.memory_space<vmem>>
        %dma_start3A_561 = arith.constant 0 : i32
        %dma_start3A_562 = arith.constant 0 : i32
        %dma_start3A_563 = tpu.memref_slice %arg3[%dma_start3A_561, %dma_start3A_562] : memref<100000x512xf32, #tpu.memory_space<hbm>> -> memref<100000x512xf32, #tpu.memory_space<hbm>>
        tpu.enqueue_indirect_dma source(%dma_start3A_563 : memref<100000x512xf32, #tpu.memory_space<hbm>>) target(%arg11 : memref<32x512xf32, #tpu.memory_space<vmem>>) offsets(%dma_start3A_560 : memref<32xi32, #tpu.memory_space<vmem>>) semaphore(%arg17 : memref<!tpu.dma_semaphore, #tpu.memory_space<semaphore_mem>>)
      } else {
      }
      %add3A_186 = arith.constant 1 : i32
      %add3A_187 = arith.addi %mul3A_132, %add3A_186 : i32
      %dma_wait3A_188 = arith.constant 0 : i32
      %dma_wait3A_189 = arith.constant 0 : i32
      %dma_wait3A_190 = tpu.memref_slice %arg5[%dma_wait3A_188, %dma_wait3A_189] : memref<50x128xi32, #tpu.memory_space<vmem>> -> memref<1x32xi32, #tpu.memory_space<vmem>>
      %dma_wait3A_191 = tpu.memref_squeeze %dma_wait3A_190 : memref<1x32xi32, #tpu.memory_space<vmem>> -> memref<32xi32, #tpu.memory_space<vmem>>
      %dma_wait3A_192 = arith.constant 0 : i32
      %dma_wait3A_193 = arith.constant 0 : i32
      %dma_wait3A_194 = tpu.memref_slice %arg3[%dma_wait3A_192, %dma_wait3A_193] : memref<100000x512xf32, #tpu.memory_space<hbm>> -> memref<100000x512xf32, #tpu.memory_space<hbm>>
      tpu.wait_indirect_dma semaphore(%arg14 : memref<!tpu.dma_semaphore, #tpu.memory_space<semaphore_mem>>) src(%dma_wait3A_194 : memref<100000x512xf32, #tpu.memory_space<hbm>>) dst(%arg8 : memref<32x512xf32, #tpu.memory_space<vmem>>)
      %jit3A_195 = arith.constant 4 : i32
      %div3A_196 = arith.divsi %add3A_187, %jit3A_195 : i32
      %sign3A_197 = arith.constant 0 : i32
      %sign3A_198 = arith.cmpi sgt, %add3A_187, %sign3A_197 : i32
      %sign3A_199 = arith.extui %sign3A_198 : i1 to i32
      %sign3A_200 = arith.constant 0 : i32
      %sign3A_201 = arith.cmpi slt, %add3A_187, %sign3A_200 : i32
      %sign3A_202 = arith.extui %sign3A_201 : i1 to i32
      %sign3A_203 = arith.subi %sign3A_199, %sign3A_202 : i32
      %sign3A_204 = arith.constant 0 : i32
      %sign3A_205 = arith.cmpi sgt, %jit3A_195, %sign3A_204 : i32
      %sign3A_206 = arith.extui %sign3A_205 : i1 to i32
      %sign3A_207 = arith.constant 0 : i32
      %sign3A_208 = arith.cmpi slt, %jit3A_195, %sign3A_207 : i32
      %sign3A_209 = arith.extui %sign3A_208 : i1 to i32
      %sign3A_210 = arith.subi %sign3A_206, %sign3A_209 : i32
      %ne3A_211 = arith.cmpi ne, %sign3A_203, %sign3A_210 : i32
      %rem3A_212 = arith.remsi %add3A_187, %jit3A_195 : i32
      %ne3A_213 = arith.constant 0 : i32
      %ne3A_214 = arith.cmpi ne, %rem3A_212, %ne3A_213 : i32
      %and3A_215 = arith.andi %ne3A_211, %ne3A_214 : i1
      %sub3A_216 = arith.constant 1 : i32
      %sub3A_217 = arith.subi %div3A_196, %sub3A_216 : i32
      %select_n3A_218 = arith.select %and3A_215, %sub3A_217, %div3A_196 : i32
      %jit3A_219 = arith.constant 4 : i32
      %eq3A_220 = arith.constant 0 : i32
      %eq3A_221 = arith.cmpi eq, %jit3A_219, %eq3A_220 : i32
      %jit3A_222 = arith.constant 1 : i32
      %select_n3A_223 = arith.select %eq3A_221, %jit3A_222, %jit3A_219 : i32
      %rem3A_224 = arith.remsi %add3A_187, %select_n3A_223 : i32
      %ne3A_225 = arith.constant 0 : i32
      %ne3A_226 = arith.cmpi ne, %rem3A_224, %ne3A_225 : i32
      %lt3A_227 = arith.constant 0 : i32
      %lt3A_228 = arith.cmpi slt, %rem3A_224, %lt3A_227 : i32
      %lt3A_229 = arith.constant 0 : i32
      %lt3A_230 = arith.cmpi slt, %select_n3A_223, %lt3A_229 : i32
      %ne3A_231 = arith.xori %lt3A_228, %lt3A_230 : i1
      %and3A_232 = arith.andi %ne3A_231, %ne3A_226 : i1
      %add3A_233 = arith.addi %rem3A_224, %select_n3A_223 : i32
      %select_n3A_234 = arith.select %and3A_232, %add3A_233, %rem3A_224 : i32
      %mul3A_235 = arith.constant 32 : i32
      %mul3A_236 = arith.muli %select_n3A_234, %mul3A_235 : i32
      %add3A_237 = arith.addi %mul3A_2, %mul3A_236 : i32
      %dma_start3A_238 = arith.constant 0 : i32
      %dma_start3A_239 = tpu.memref_slice %arg4[%select_n3A_218, %add3A_237, %dma_start3A_238] : memref<50x4096x512xf32, #tpu.memory_space<hbm>> -> memref<1x32x512xf32, #tpu.memory_space<hbm>>
      %dma_start3A_240 = tpu.memref_squeeze %dma_start3A_239 : memref<1x32x512xf32, #tpu.memory_space<hbm>> -> memref<32x512xf32, #tpu.memory_space<hbm>>
      %dma_start3A_241 = arith.constant 0 : i32
      %dma_start3A_242 = tpu.memref_slice %arg4[%select_n3A_218, %add3A_237, %dma_start3A_241] : memref<50x4096x512xf32, #tpu.memory_space<hbm>> -> memref<1x32x512xf32, #tpu.memory_space<hbm>>
      %dma_start3A_243 = tpu.memref_squeeze %dma_start3A_242 : memref<1x32x512xf32, #tpu.memory_space<hbm>> -> memref<32x512xf32, #tpu.memory_space<hbm>>
      tpu.enqueue_dma source(%arg8 : memref<32x512xf32, #tpu.memory_space<vmem>>) target(%dma_start3A_243 : memref<32x512xf32, #tpu.memory_space<hbm>>) target_semaphore(%arg20 : memref<!tpu.dma_semaphore, #tpu.memory_space<semaphore_mem>>)
      %add3A_244 = arith.constant 4 : i32
      %add3A_245 = arith.addi %add3A_187, %add3A_244 : i32
      %lt3A_246 = arith.constant 200 : i32
      %lt3A_247 = arith.cmpi slt, %add3A_245, %lt3A_246 : i32
      %convert_element_type3A_248 = arith.extui %lt3A_247 : i1 to i32
      %cond3A_249 = arith.constant 0 : i32
      %cond3A_250 = arith.cmpi ne, %convert_element_type3A_248, %cond3A_249 : i32
      scf.if %cond3A_250 {
        %ge3A = arith.constant 2 : i32
        %ge3A_511 = arith.cmpi sge, %add3A_187, %ge3A : i32
        %convert_element_type3A_512 = arith.extui %ge3A_511 : i1 to i32
        %cond3A_513 = arith.constant 0 : i32
        %cond3A_514 = arith.cmpi ne, %convert_element_type3A_512, %cond3A_513 : i32
        scf.if %cond3A_514 {
          %dma_wait3A_564 = arith.constant 0 : i32
          %dma_wait3A_565 = arith.constant 0 : i32
          %dma_wait3A_566 = arith.constant 0 : i32
          %dma_wait3A_567 = tpu.memref_slice %arg4[%dma_wait3A_564, %dma_wait3A_565, %dma_wait3A_566] : memref<50x4096x512xf32, #tpu.memory_space<hbm>> -> memref<1x32x512xf32, #tpu.memory_space<hbm>>
          %dma_wait3A_568 = tpu.memref_squeeze %dma_wait3A_567 : memref<1x32x512xf32, #tpu.memory_space<hbm>> -> memref<32x512xf32, #tpu.memory_space<hbm>>
          %dma_wait3A_569 = arith.constant 0 : i32
          %dma_wait3A_570 = arith.constant 0 : i32
          %dma_wait3A_571 = tpu.memref_slice %arg4[%dma_wait3A_564, %dma_wait3A_569, %dma_wait3A_570] : memref<50x4096x512xf32, #tpu.memory_space<hbm>> -> memref<1x32x512xf32, #tpu.memory_space<hbm>>
          %dma_wait3A_572 = tpu.memref_squeeze %dma_wait3A_571 : memref<1x32x512xf32, #tpu.memory_space<hbm>> -> memref<32x512xf32, #tpu.memory_space<hbm>>
          tpu.wait_dma2 semaphore(%arg24 : memref<!tpu.dma_semaphore, #tpu.memory_space<semaphore_mem>>) src(%arg12 : memref<32x512xf32, #tpu.memory_space<vmem>>) dst(%dma_wait3A_572 : memref<32x512xf32, #tpu.memory_space<hbm>>)
        } else {
        }
        %add3A_515 = arith.constant 4 : i32
        %add3A_516 = arith.addi %add3A_187, %add3A_515 : i32
        %jit3A_517 = arith.constant 4 : i32
        %div3A_518 = arith.divsi %add3A_516, %jit3A_517 : i32
        %sign3A_519 = arith.constant 0 : i32
        %sign3A_520 = arith.cmpi sgt, %add3A_516, %sign3A_519 : i32
        %sign3A_521 = arith.extui %sign3A_520 : i1 to i32
        %sign3A_522 = arith.constant 0 : i32
        %sign3A_523 = arith.cmpi slt, %add3A_516, %sign3A_522 : i32
        %sign3A_524 = arith.extui %sign3A_523 : i1 to i32
        %sign3A_525 = arith.subi %sign3A_521, %sign3A_524 : i32
        %sign3A_526 = arith.constant 0 : i32
        %sign3A_527 = arith.cmpi sgt, %jit3A_517, %sign3A_526 : i32
        %sign3A_528 = arith.extui %sign3A_527 : i1 to i32
        %sign3A_529 = arith.constant 0 : i32
        %sign3A_530 = arith.cmpi slt, %jit3A_517, %sign3A_529 : i32
        %sign3A_531 = arith.extui %sign3A_530 : i1 to i32
        %sign3A_532 = arith.subi %sign3A_528, %sign3A_531 : i32
        %ne3A_533 = arith.cmpi ne, %sign3A_525, %sign3A_532 : i32
        %rem3A_534 = arith.remsi %add3A_516, %jit3A_517 : i32
        %ne3A_535 = arith.constant 0 : i32
        %ne3A_536 = arith.cmpi ne, %rem3A_534, %ne3A_535 : i32
        %and3A_537 = arith.andi %ne3A_533, %ne3A_536 : i1
        %sub3A_538 = arith.constant 1 : i32
        %sub3A_539 = arith.subi %div3A_518, %sub3A_538 : i32
        %select_n3A_540 = arith.select %and3A_537, %sub3A_539, %div3A_518 : i32
        %jit3A_541 = arith.constant 4 : i32
        %eq3A_542 = arith.constant 0 : i32
        %eq3A_543 = arith.cmpi eq, %jit3A_541, %eq3A_542 : i32
        %jit3A_544 = arith.constant 1 : i32
        %select_n3A_545 = arith.select %eq3A_543, %jit3A_544, %jit3A_541 : i32
        %rem3A_546 = arith.remsi %add3A_516, %select_n3A_545 : i32
        %ne3A_547 = arith.constant 0 : i32
        %ne3A_548 = arith.cmpi ne, %rem3A_546, %ne3A_547 : i32
        %lt3A_549 = arith.constant 0 : i32
        %lt3A_550 = arith.cmpi slt, %rem3A_546, %lt3A_549 : i32
        %lt3A_551 = arith.constant 0 : i32
        %lt3A_552 = arith.cmpi slt, %select_n3A_545, %lt3A_551 : i32
        %ne3A_553 = arith.xori %lt3A_550, %lt3A_552 : i1
        %and3A_554 = arith.andi %ne3A_553, %ne3A_548 : i1
        %add3A_555 = arith.addi %rem3A_546, %select_n3A_545 : i32
        %select_n3A_556 = arith.select %and3A_554, %add3A_555, %rem3A_546 : i32
        %mul3A_557 = arith.constant 32 : i32
        %mul3A_558 = arith.muli %select_n3A_556, %mul3A_557 : i32
        %dma_start3A_559 = tpu.memref_slice %arg5[%select_n3A_540, %mul3A_558] : memref<50x128xi32, #tpu.memory_space<vmem>> -> memref<1x32xi32, #tpu.memory_space<vmem>>
        %dma_start3A_560 = tpu.memref_squeeze %dma_start3A_559 : memref<1x32xi32, #tpu.memory_space<vmem>> -> memref<32xi32, #tpu.memory_space<vmem>>
        %dma_start3A_561 = arith.constant 0 : i32
        %dma_start3A_562 = arith.constant 0 : i32
        %dma_start3A_563 = tpu.memref_slice %arg3[%dma_start3A_561, %dma_start3A_562] : memref<100000x512xf32, #tpu.memory_space<hbm>> -> memref<100000x512xf32, #tpu.memory_space<hbm>>
        tpu.enqueue_indirect_dma source(%dma_start3A_563 : memref<100000x512xf32, #tpu.memory_space<hbm>>) target(%arg12 : memref<32x512xf32, #tpu.memory_space<vmem>>) offsets(%dma_start3A_560 : memref<32xi32, #tpu.memory_space<vmem>>) semaphore(%arg18 : memref<!tpu.dma_semaphore, #tpu.memory_space<semaphore_mem>>)
      } else {
      }
      %add3A_251 = arith.constant 2 : i32
      %add3A_252 = arith.addi %mul3A_132, %add3A_251 : i32
      %dma_wait3A_253 = arith.constant 0 : i32
      %dma_wait3A_254 = arith.constant 0 : i32
      %dma_wait3A_255 = tpu.memref_slice %arg5[%dma_wait3A_253, %dma_wait3A_254] : memref<50x128xi32, #tpu.memory_space<vmem>> -> memref<1x32xi32, #tpu.memory_space<vmem>>
      %dma_wait3A_256 = tpu.memref_squeeze %dma_wait3A_255 : memref<1x32xi32, #tpu.memory_space<vmem>> -> memref<32xi32, #tpu.memory_space<vmem>>
      %dma_wait3A_257 = arith.constant 0 : i32
      %dma_wait3A_258 = arith.constant 0 : i32
      %dma_wait3A_259 = tpu.memref_slice %arg3[%dma_wait3A_257, %dma_wait3A_258] : memref<100000x512xf32, #tpu.memory_space<hbm>> -> memref<100000x512xf32, #tpu.memory_space<hbm>>
      tpu.wait_indirect_dma semaphore(%arg15 : memref<!tpu.dma_semaphore, #tpu.memory_space<semaphore_mem>>) src(%dma_wait3A_259 : memref<100000x512xf32, #tpu.memory_space<hbm>>) dst(%arg9 : memref<32x512xf32, #tpu.memory_space<vmem>>)
      %jit3A_260 = arith.constant 4 : i32
      %div3A_261 = arith.divsi %add3A_252, %jit3A_260 : i32
      %sign3A_262 = arith.constant 0 : i32
      %sign3A_263 = arith.cmpi sgt, %add3A_252, %sign3A_262 : i32
      %sign3A_264 = arith.extui %sign3A_263 : i1 to i32
      %sign3A_265 = arith.constant 0 : i32
      %sign3A_266 = arith.cmpi slt, %add3A_252, %sign3A_265 : i32
      %sign3A_267 = arith.extui %sign3A_266 : i1 to i32
      %sign3A_268 = arith.subi %sign3A_264, %sign3A_267 : i32
      %sign3A_269 = arith.constant 0 : i32
      %sign3A_270 = arith.cmpi sgt, %jit3A_260, %sign3A_269 : i32
      %sign3A_271 = arith.extui %sign3A_270 : i1 to i32
      %sign3A_272 = arith.constant 0 : i32
      %sign3A_273 = arith.cmpi slt, %jit3A_260, %sign3A_272 : i32
      %sign3A_274 = arith.extui %sign3A_273 : i1 to i32
      %sign3A_275 = arith.subi %sign3A_271, %sign3A_274 : i32
      %ne3A_276 = arith.cmpi ne, %sign3A_268, %sign3A_275 : i32
      %rem3A_277 = arith.remsi %add3A_252, %jit3A_260 : i32
      %ne3A_278 = arith.constant 0 : i32
      %ne3A_279 = arith.cmpi ne, %rem3A_277, %ne3A_278 : i32
      %and3A_280 = arith.andi %ne3A_276, %ne3A_279 : i1
      %sub3A_281 = arith.constant 1 : i32
      %sub3A_282 = arith.subi %div3A_261, %sub3A_281 : i32
      %select_n3A_283 = arith.select %and3A_280, %sub3A_282, %div3A_261 : i32
      %jit3A_284 = arith.constant 4 : i32
      %eq3A_285 = arith.constant 0 : i32
      %eq3A_286 = arith.cmpi eq, %jit3A_284, %eq3A_285 : i32
      %jit3A_287 = arith.constant 1 : i32
      %select_n3A_288 = arith.select %eq3A_286, %jit3A_287, %jit3A_284 : i32
      %rem3A_289 = arith.remsi %add3A_252, %select_n3A_288 : i32
      %ne3A_290 = arith.constant 0 : i32
      %ne3A_291 = arith.cmpi ne, %rem3A_289, %ne3A_290 : i32
      %lt3A_292 = arith.constant 0 : i32
      %lt3A_293 = arith.cmpi slt, %rem3A_289, %lt3A_292 : i32
      %lt3A_294 = arith.constant 0 : i32
      %lt3A_295 = arith.cmpi slt, %select_n3A_288, %lt3A_294 : i32
      %ne3A_296 = arith.xori %lt3A_293, %lt3A_295 : i1
      %and3A_297 = arith.andi %ne3A_296, %ne3A_291 : i1
      %add3A_298 = arith.addi %rem3A_289, %select_n3A_288 : i32
      %select_n3A_299 = arith.select %and3A_297, %add3A_298, %rem3A_289 : i32
      %mul3A_300 = arith.constant 32 : i32
      %mul3A_301 = arith.muli %select_n3A_299, %mul3A_300 : i32
      %add3A_302 = arith.addi %mul3A_2, %mul3A_301 : i32
      %dma_start3A_303 = arith.constant 0 : i32
      %dma_start3A_304 = tpu.memref_slice %arg4[%select_n3A_283, %add3A_302, %dma_start3A_303] : memref<50x4096x512xf32, #tpu.memory_space<hbm>> -> memref<1x32x512xf32, #tpu.memory_space<hbm>>
      %dma_start3A_305 = tpu.memref_squeeze %dma_start3A_304 : memref<1x32x512xf32, #tpu.memory_space<hbm>> -> memref<32x512xf32, #tpu.memory_space<hbm>>
      %dma_start3A_306 = arith.constant 0 : i32
      %dma_start3A_307 = tpu.memref_slice %arg4[%select_n3A_283, %add3A_302, %dma_start3A_306] : memref<50x4096x512xf32, #tpu.memory_space<hbm>> -> memref<1x32x512xf32, #tpu.memory_space<hbm>>
      %dma_start3A_308 = tpu.memref_squeeze %dma_start3A_307 : memref<1x32x512xf32, #tpu.memory_space<hbm>> -> memref<32x512xf32, #tpu.memory_space<hbm>>
      tpu.enqueue_dma source(%arg9 : memref<32x512xf32, #tpu.memory_space<vmem>>) target(%dma_start3A_308 : memref<32x512xf32, #tpu.memory_space<hbm>>) target_semaphore(%arg21 : memref<!tpu.dma_semaphore, #tpu.memory_space<semaphore_mem>>)
      %add3A_309 = arith.constant 4 : i32
      %add3A_310 = arith.addi %add3A_252, %add3A_309 : i32
      %lt3A_311 = arith.constant 200 : i32
      %lt3A_312 = arith.cmpi slt, %add3A_310, %lt3A_311 : i32
      %convert_element_type3A_313 = arith.extui %lt3A_312 : i1 to i32
      %cond3A_314 = arith.constant 0 : i32
      %cond3A_315 = arith.cmpi ne, %convert_element_type3A_313, %cond3A_314 : i32
      scf.if %cond3A_315 {
        %ge3A = arith.constant 2 : i32
        %ge3A_511 = arith.cmpi sge, %add3A_252, %ge3A : i32
        %convert_element_type3A_512 = arith.extui %ge3A_511 : i1 to i32
        %cond3A_513 = arith.constant 0 : i32
        %cond3A_514 = arith.cmpi ne, %convert_element_type3A_512, %cond3A_513 : i32
        scf.if %cond3A_514 {
          %dma_wait3A_564 = arith.constant 0 : i32
          %dma_wait3A_565 = arith.constant 0 : i32
          %dma_wait3A_566 = arith.constant 0 : i32
          %dma_wait3A_567 = tpu.memref_slice %arg4[%dma_wait3A_564, %dma_wait3A_565, %dma_wait3A_566] : memref<50x4096x512xf32, #tpu.memory_space<hbm>> -> memref<1x32x512xf32, #tpu.memory_space<hbm>>
          %dma_wait3A_568 = tpu.memref_squeeze %dma_wait3A_567 : memref<1x32x512xf32, #tpu.memory_space<hbm>> -> memref<32x512xf32, #tpu.memory_space<hbm>>
          %dma_wait3A_569 = arith.constant 0 : i32
          %dma_wait3A_570 = arith.constant 0 : i32
          %dma_wait3A_571 = tpu.memref_slice %arg4[%dma_wait3A_564, %dma_wait3A_569, %dma_wait3A_570] : memref<50x4096x512xf32, #tpu.memory_space<hbm>> -> memref<1x32x512xf32, #tpu.memory_space<hbm>>
          %dma_wait3A_572 = tpu.memref_squeeze %dma_wait3A_571 : memref<1x32x512xf32, #tpu.memory_space<hbm>> -> memref<32x512xf32, #tpu.memory_space<hbm>>
          tpu.wait_dma2 semaphore(%arg19 : memref<!tpu.dma_semaphore, #tpu.memory_space<semaphore_mem>>) src(%arg7 : memref<32x512xf32, #tpu.memory_space<vmem>>) dst(%dma_wait3A_572 : memref<32x512xf32, #tpu.memory_space<hbm>>)
        } else {
        }
        %add3A_515 = arith.constant 4 : i32
        %add3A_516 = arith.addi %add3A_252, %add3A_515 : i32
        %jit3A_517 = arith.constant 4 : i32
        %div3A_518 = arith.divsi %add3A_516, %jit3A_517 : i32
        %sign3A_519 = arith.constant 0 : i32
        %sign3A_520 = arith.cmpi sgt, %add3A_516, %sign3A_519 : i32
        %sign3A_521 = arith.extui %sign3A_520 : i1 to i32
        %sign3A_522 = arith.constant 0 : i32
        %sign3A_523 = arith.cmpi slt, %add3A_516, %sign3A_522 : i32
        %sign3A_524 = arith.extui %sign3A_523 : i1 to i32
        %sign3A_525 = arith.subi %sign3A_521, %sign3A_524 : i32
        %sign3A_526 = arith.constant 0 : i32
        %sign3A_527 = arith.cmpi sgt, %jit3A_517, %sign3A_526 : i32
        %sign3A_528 = arith.extui %sign3A_527 : i1 to i32
        %sign3A_529 = arith.constant 0 : i32
        %sign3A_530 = arith.cmpi slt, %jit3A_517, %sign3A_529 : i32
        %sign3A_531 = arith.extui %sign3A_530 : i1 to i32
        %sign3A_532 = arith.subi %sign3A_528, %sign3A_531 : i32
        %ne3A_533 = arith.cmpi ne, %sign3A_525, %sign3A_532 : i32
        %rem3A_534 = arith.remsi %add3A_516, %jit3A_517 : i32
        %ne3A_535 = arith.constant 0 : i32
        %ne3A_536 = arith.cmpi ne, %rem3A_534, %ne3A_535 : i32
        %and3A_537 = arith.andi %ne3A_533, %ne3A_536 : i1
        %sub3A_538 = arith.constant 1 : i32
        %sub3A_539 = arith.subi %div3A_518, %sub3A_538 : i32
        %select_n3A_540 = arith.select %and3A_537, %sub3A_539, %div3A_518 : i32
        %jit3A_541 = arith.constant 4 : i32
        %eq3A_542 = arith.constant 0 : i32
        %eq3A_543 = arith.cmpi eq, %jit3A_541, %eq3A_542 : i32
        %jit3A_544 = arith.constant 1 : i32
        %select_n3A_545 = arith.select %eq3A_543, %jit3A_544, %jit3A_541 : i32
        %rem3A_546 = arith.remsi %add3A_516, %select_n3A_545 : i32
        %ne3A_547 = arith.constant 0 : i32
        %ne3A_548 = arith.cmpi ne, %rem3A_546, %ne3A_547 : i32
        %lt3A_549 = arith.constant 0 : i32
        %lt3A_550 = arith.cmpi slt, %rem3A_546, %lt3A_549 : i32
        %lt3A_551 = arith.constant 0 : i32
        %lt3A_552 = arith.cmpi slt, %select_n3A_545, %lt3A_551 : i32
        %ne3A_553 = arith.xori %lt3A_550, %lt3A_552 : i1
        %and3A_554 = arith.andi %ne3A_553, %ne3A_548 : i1
        %add3A_555 = arith.addi %rem3A_546, %select_n3A_545 : i32
        %select_n3A_556 = arith.select %and3A_554, %add3A_555, %rem3A_546 : i32
        %mul3A_557 = arith.constant 32 : i32
        %mul3A_558 = arith.muli %select_n3A_556, %mul3A_557 : i32
        %dma_start3A_559 = tpu.memref_slice %arg5[%select_n3A_540, %mul3A_558] : memref<50x128xi32, #tpu.memory_space<vmem>> -> memref<1x32xi32, #tpu.memory_space<vmem>>
        %dma_start3A_560 = tpu.memref_squeeze %dma_start3A_559 : memref<1x32xi32, #tpu.memory_space<vmem>> -> memref<32xi32, #tpu.memory_space<vmem>>
        %dma_start3A_561 = arith.constant 0 : i32
        %dma_start3A_562 = arith.constant 0 : i32
        %dma_start3A_563 = tpu.memref_slice %arg3[%dma_start3A_561, %dma_start3A_562] : memref<100000x512xf32, #tpu.memory_space<hbm>> -> memref<100000x512xf32, #tpu.memory_space<hbm>>
        tpu.enqueue_indirect_dma source(%dma_start3A_563 : memref<100000x512xf32, #tpu.memory_space<hbm>>) target(%arg7 : memref<32x512xf32, #tpu.memory_space<vmem>>) offsets(%dma_start3A_560 : memref<32xi32, #tpu.memory_space<vmem>>) semaphore(%arg13 : memref<!tpu.dma_semaphore, #tpu.memory_space<semaphore_mem>>)
      } else {
      }
      %add3A_316 = arith.constant 3 : i32
      %add3A_317 = arith.addi %mul3A_132, %add3A_316 : i32
      %dma_wait3A_318 = arith.constant 0 : i32
      %dma_wait3A_319 = arith.constant 0 : i32
      %dma_wait3A_320 = tpu.memref_slice %arg5[%dma_wait3A_318, %dma_wait3A_319] : memref<50x128xi32, #tpu.memory_space<vmem>> -> memref<1x32xi32, #tpu.memory_space<vmem>>
      %dma_wait3A_321 = tpu.memref_squeeze %dma_wait3A_320 : memref<1x32xi32, #tpu.memory_space<vmem>> -> memref<32xi32, #tpu.memory_space<vmem>>
      %dma_wait3A_322 = arith.constant 0 : i32
      %dma_wait3A_323 = arith.constant 0 : i32
      %dma_wait3A_324 = tpu.memref_slice %arg3[%dma_wait3A_322, %dma_wait3A_323] : memref<100000x512xf32, #tpu.memory_space<hbm>> -> memref<100000x512xf32, #tpu.memory_space<hbm>>
      tpu.wait_indirect_dma semaphore(%arg16 : memref<!tpu.dma_semaphore, #tpu.memory_space<semaphore_mem>>) src(%dma_wait3A_324 : memref<100000x512xf32, #tpu.memory_space<hbm>>) dst(%arg10 : memref<32x512xf32, #tpu.memory_space<vmem>>)
      %jit3A_325 = arith.constant 4 : i32
      %div3A_326 = arith.divsi %add3A_317, %jit3A_325 : i32
      %sign3A_327 = arith.constant 0 : i32
      %sign3A_328 = arith.cmpi sgt, %add3A_317, %sign3A_327 : i32
      %sign3A_329 = arith.extui %sign3A_328 : i1 to i32
      %sign3A_330 = arith.constant 0 : i32
      %sign3A_331 = arith.cmpi slt, %add3A_317, %sign3A_330 : i32
      %sign3A_332 = arith.extui %sign3A_331 : i1 to i32
      %sign3A_333 = arith.subi %sign3A_329, %sign3A_332 : i32
      %sign3A_334 = arith.constant 0 : i32
      %sign3A_335 = arith.cmpi sgt, %jit3A_325, %sign3A_334 : i32
      %sign3A_336 = arith.extui %sign3A_335 : i1 to i32
      %sign3A_337 = arith.constant 0 : i32
      %sign3A_338 = arith.cmpi slt, %jit3A_325, %sign3A_337 : i32
      %sign3A_339 = arith.extui %sign3A_338 : i1 to i32
      %sign3A_340 = arith.subi %sign3A_336, %sign3A_339 : i32
      %ne3A_341 = arith.cmpi ne, %sign3A_333, %sign3A_340 : i32
      %rem3A_342 = arith.remsi %add3A_317, %jit3A_325 : i32
      %ne3A_343 = arith.constant 0 : i32
      %ne3A_344 = arith.cmpi ne, %rem3A_342, %ne3A_343 : i32
      %and3A_345 = arith.andi %ne3A_341, %ne3A_344 : i1
      %sub3A_346 = arith.constant 1 : i32
      %sub3A_347 = arith.subi %div3A_326, %sub3A_346 : i32
      %select_n3A_348 = arith.select %and3A_345, %sub3A_347, %div3A_326 : i32
      %jit3A_349 = arith.constant 4 : i32
      %eq3A_350 = arith.constant 0 : i32
      %eq3A_351 = arith.cmpi eq, %jit3A_349, %eq3A_350 : i32
      %jit3A_352 = arith.constant 1 : i32
      %select_n3A_353 = arith.select %eq3A_351, %jit3A_352, %jit3A_349 : i32
      %rem3A_354 = arith.remsi %add3A_317, %select_n3A_353 : i32
      %ne3A_355 = arith.constant 0 : i32
      %ne3A_356 = arith.cmpi ne, %rem3A_354, %ne3A_355 : i32
      %lt3A_357 = arith.constant 0 : i32
      %lt3A_358 = arith.cmpi slt, %rem3A_354, %lt3A_357 : i32
      %lt3A_359 = arith.constant 0 : i32
      %lt3A_360 = arith.cmpi slt, %select_n3A_353, %lt3A_359 : i32
      %ne3A_361 = arith.xori %lt3A_358, %lt3A_360 : i1
      %and3A_362 = arith.andi %ne3A_361, %ne3A_356 : i1
      %add3A_363 = arith.addi %rem3A_354, %select_n3A_353 : i32
      %select_n3A_364 = arith.select %and3A_362, %add3A_363, %rem3A_354 : i32
      %mul3A_365 = arith.constant 32 : i32
      %mul3A_366 = arith.muli %select_n3A_364, %mul3A_365 : i32
      %add3A_367 = arith.addi %mul3A_2, %mul3A_366 : i32
      %dma_start3A_368 = arith.constant 0 : i32
      %dma_start3A_369 = tpu.memref_slice %arg4[%select_n3A_348, %add3A_367, %dma_start3A_368] : memref<50x4096x512xf32, #tpu.memory_space<hbm>> -> memref<1x32x512xf32, #tpu.memory_space<hbm>>
      %dma_start3A_370 = tpu.memref_squeeze %dma_start3A_369 : memref<1x32x512xf32, #tpu.memory_space<hbm>> -> memref<32x512xf32, #tpu.memory_space<hbm>>
      %dma_start3A_371 = arith.constant 0 : i32
      %dma_start3A_372 = tpu.memref_slice %arg4[%select_n3A_348, %add3A_367, %dma_start3A_371] : memref<50x4096x512xf32, #tpu.memory_space<hbm>> -> memref<1x32x512xf32, #tpu.memory_space<hbm>>
      %dma_start3A_373 = tpu.memref_squeeze %dma_start3A_372 : memref<1x32x512xf32, #tpu.memory_space<hbm>> -> memref<32x512xf32, #tpu.memory_space<hbm>>
      tpu.enqueue_dma source(%arg10 : memref<32x512xf32, #tpu.memory_space<vmem>>) target(%dma_start3A_373 : memref<32x512xf32, #tpu.memory_space<hbm>>) target_semaphore(%arg22 : memref<!tpu.dma_semaphore, #tpu.memory_space<semaphore_mem>>)
      %add3A_374 = arith.constant 4 : i32
      %add3A_375 = arith.addi %add3A_317, %add3A_374 : i32
      %lt3A_376 = arith.constant 200 : i32
      %lt3A_377 = arith.cmpi slt, %add3A_375, %lt3A_376 : i32
      %convert_element_type3A_378 = arith.extui %lt3A_377 : i1 to i32
      %cond3A_379 = arith.constant 0 : i32
      %cond3A_380 = arith.cmpi ne, %convert_element_type3A_378, %cond3A_379 : i32
      scf.if %cond3A_380 {
        %ge3A = arith.constant 2 : i32
        %ge3A_511 = arith.cmpi sge, %add3A_317, %ge3A : i32
        %convert_element_type3A_512 = arith.extui %ge3A_511 : i1 to i32
        %cond3A_513 = arith.constant 0 : i32
        %cond3A_514 = arith.cmpi ne, %convert_element_type3A_512, %cond3A_513 : i32
        scf.if %cond3A_514 {
          %dma_wait3A_564 = arith.constant 0 : i32
          %dma_wait3A_565 = arith.constant 0 : i32
          %dma_wait3A_566 = arith.constant 0 : i32
          %dma_wait3A_567 = tpu.memref_slice %arg4[%dma_wait3A_564, %dma_wait3A_565, %dma_wait3A_566] : memref<50x4096x512xf32, #tpu.memory_space<hbm>> -> memref<1x32x512xf32, #tpu.memory_space<hbm>>
          %dma_wait3A_568 = tpu.memref_squeeze %dma_wait3A_567 : memref<1x32x512xf32, #tpu.memory_space<hbm>> -> memref<32x512xf32, #tpu.memory_space<hbm>>
          %dma_wait3A_569 = arith.constant 0 : i32
          %dma_wait3A_570 = arith.constant 0 : i32
          %dma_wait3A_571 = tpu.memref_slice %arg4[%dma_wait3A_564, %dma_wait3A_569, %dma_wait3A_570] : memref<50x4096x512xf32, #tpu.memory_space<hbm>> -> memref<1x32x512xf32, #tpu.memory_space<hbm>>
          %dma_wait3A_572 = tpu.memref_squeeze %dma_wait3A_571 : memref<1x32x512xf32, #tpu.memory_space<hbm>> -> memref<32x512xf32, #tpu.memory_space<hbm>>
          tpu.wait_dma2 semaphore(%arg20 : memref<!tpu.dma_semaphore, #tpu.memory_space<semaphore_mem>>) src(%arg8 : memref<32x512xf32, #tpu.memory_space<vmem>>) dst(%dma_wait3A_572 : memref<32x512xf32, #tpu.memory_space<hbm>>)
        } else {
        }
        %add3A_515 = arith.constant 4 : i32
        %add3A_516 = arith.addi %add3A_317, %add3A_515 : i32
        %jit3A_517 = arith.constant 4 : i32
        %div3A_518 = arith.divsi %add3A_516, %jit3A_517 : i32
        %sign3A_519 = arith.constant 0 : i32
        %sign3A_520 = arith.cmpi sgt, %add3A_516, %sign3A_519 : i32
        %sign3A_521 = arith.extui %sign3A_520 : i1 to i32
        %sign3A_522 = arith.constant 0 : i32
        %sign3A_523 = arith.cmpi slt, %add3A_516, %sign3A_522 : i32
        %sign3A_524 = arith.extui %sign3A_523 : i1 to i32
        %sign3A_525 = arith.subi %sign3A_521, %sign3A_524 : i32
        %sign3A_526 = arith.constant 0 : i32
        %sign3A_527 = arith.cmpi sgt, %jit3A_517, %sign3A_526 : i32
        %sign3A_528 = arith.extui %sign3A_527 : i1 to i32
        %sign3A_529 = arith.constant 0 : i32
        %sign3A_530 = arith.cmpi slt, %jit3A_517, %sign3A_529 : i32
        %sign3A_531 = arith.extui %sign3A_530 : i1 to i32
        %sign3A_532 = arith.subi %sign3A_528, %sign3A_531 : i32
        %ne3A_533 = arith.cmpi ne, %sign3A_525, %sign3A_532 : i32
        %rem3A_534 = arith.remsi %add3A_516, %jit3A_517 : i32
        %ne3A_535 = arith.constant 0 : i32
        %ne3A_536 = arith.cmpi ne, %rem3A_534, %ne3A_535 : i32
        %and3A_537 = arith.andi %ne3A_533, %ne3A_536 : i1
        %sub3A_538 = arith.constant 1 : i32
        %sub3A_539 = arith.subi %div3A_518, %sub3A_538 : i32
        %select_n3A_540 = arith.select %and3A_537, %sub3A_539, %div3A_518 : i32
        %jit3A_541 = arith.constant 4 : i32
        %eq3A_542 = arith.constant 0 : i32
        %eq3A_543 = arith.cmpi eq, %jit3A_541, %eq3A_542 : i32
        %jit3A_544 = arith.constant 1 : i32
        %select_n3A_545 = arith.select %eq3A_543, %jit3A_544, %jit3A_541 : i32
        %rem3A_546 = arith.remsi %add3A_516, %select_n3A_545 : i32
        %ne3A_547 = arith.constant 0 : i32
        %ne3A_548 = arith.cmpi ne, %rem3A_546, %ne3A_547 : i32
        %lt3A_549 = arith.constant 0 : i32
        %lt3A_550 = arith.cmpi slt, %rem3A_546, %lt3A_549 : i32
        %lt3A_551 = arith.constant 0 : i32
        %lt3A_552 = arith.cmpi slt, %select_n3A_545, %lt3A_551 : i32
        %ne3A_553 = arith.xori %lt3A_550, %lt3A_552 : i1
        %and3A_554 = arith.andi %ne3A_553, %ne3A_548 : i1
        %add3A_555 = arith.addi %rem3A_546, %select_n3A_545 : i32
        %select_n3A_556 = arith.select %and3A_554, %add3A_555, %rem3A_546 : i32
        %mul3A_557 = arith.constant 32 : i32
        %mul3A_558 = arith.muli %select_n3A_556, %mul3A_557 : i32
        %dma_start3A_559 = tpu.memref_slice %arg5[%select_n3A_540, %mul3A_558] : memref<50x128xi32, #tpu.memory_space<vmem>> -> memref<1x32xi32, #tpu.memory_space<vmem>>
        %dma_start3A_560 = tpu.memref_squeeze %dma_start3A_559 : memref<1x32xi32, #tpu.memory_space<vmem>> -> memref<32xi32, #tpu.memory_space<vmem>>
        %dma_start3A_561 = arith.constant 0 : i32
        %dma_start3A_562 = arith.constant 0 : i32
        %dma_start3A_563 = tpu.memref_slice %arg3[%dma_start3A_561, %dma_start3A_562] : memref<100000x512xf32, #tpu.memory_space<hbm>> -> memref<100000x512xf32, #tpu.memory_space<hbm>>
        tpu.enqueue_indirect_dma source(%dma_start3A_563 : memref<100000x512xf32, #tpu.memory_space<hbm>>) target(%arg8 : memref<32x512xf32, #tpu.memory_space<vmem>>) offsets(%dma_start3A_560 : memref<32xi32, #tpu.memory_space<vmem>>) semaphore(%arg14 : memref<!tpu.dma_semaphore, #tpu.memory_space<semaphore_mem>>)
      } else {
      }
      %add3A_381 = arith.constant 4 : i32
      %add3A_382 = arith.addi %mul3A_132, %add3A_381 : i32
      %dma_wait3A_383 = arith.constant 0 : i32
      %dma_wait3A_384 = arith.constant 0 : i32
      %dma_wait3A_385 = tpu.memref_slice %arg5[%dma_wait3A_383, %dma_wait3A_384] : memref<50x128xi32, #tpu.memory_space<vmem>> -> memref<1x32xi32, #tpu.memory_space<vmem>>
      %dma_wait3A_386 = tpu.memref_squeeze %dma_wait3A_385 : memref<1x32xi32, #tpu.memory_space<vmem>> -> memref<32xi32, #tpu.memory_space<vmem>>
      %dma_wait3A_387 = arith.constant 0 : i32
      %dma_wait3A_388 = arith.constant 0 : i32
      %dma_wait3A_389 = tpu.memref_slice %arg3[%dma_wait3A_387, %dma_wait3A_388] : memref<100000x512xf32, #tpu.memory_space<hbm>> -> memref<100000x512xf32, #tpu.memory_space<hbm>>
      tpu.wait_indirect_dma semaphore(%arg17 : memref<!tpu.dma_semaphore, #tpu.memory_space<semaphore_mem>>) src(%dma_wait3A_389 : memref<100000x512xf32, #tpu.memory_space<hbm>>) dst(%arg11 : memref<32x512xf32, #tpu.memory_space<vmem>>)
      %jit3A_390 = arith.constant 4 : i32
      %div3A_391 = arith.divsi %add3A_382, %jit3A_390 : i32
      %sign3A_392 = arith.constant 0 : i32
      %sign3A_393 = arith.cmpi sgt, %add3A_382, %sign3A_392 : i32
      %sign3A_394 = arith.extui %sign3A_393 : i1 to i32
      %sign3A_395 = arith.constant 0 : i32
      %sign3A_396 = arith.cmpi slt, %add3A_382, %sign3A_395 : i32
      %sign3A_397 = arith.extui %sign3A_396 : i1 to i32
      %sign3A_398 = arith.subi %sign3A_394, %sign3A_397 : i32
      %sign3A_399 = arith.constant 0 : i32
      %sign3A_400 = arith.cmpi sgt, %jit3A_390, %sign3A_399 : i32
      %sign3A_401 = arith.extui %sign3A_400 : i1 to i32
      %sign3A_402 = arith.constant 0 : i32
      %sign3A_403 = arith.cmpi slt, %jit3A_390, %sign3A_402 : i32
      %sign3A_404 = arith.extui %sign3A_403 : i1 to i32
      %sign3A_405 = arith.subi %sign3A_401, %sign3A_404 : i32
      %ne3A_406 = arith.cmpi ne, %sign3A_398, %sign3A_405 : i32
      %rem3A_407 = arith.remsi %add3A_382, %jit3A_390 : i32
      %ne3A_408 = arith.constant 0 : i32
      %ne3A_409 = arith.cmpi ne, %rem3A_407, %ne3A_408 : i32
      %and3A_410 = arith.andi %ne3A_406, %ne3A_409 : i1
      %sub3A_411 = arith.constant 1 : i32
      %sub3A_412 = arith.subi %div3A_391, %sub3A_411 : i32
      %select_n3A_413 = arith.select %and3A_410, %sub3A_412, %div3A_391 : i32
      %jit3A_414 = arith.constant 4 : i32
      %eq3A_415 = arith.constant 0 : i32
      %eq3A_416 = arith.cmpi eq, %jit3A_414, %eq3A_415 : i32
      %jit3A_417 = arith.constant 1 : i32
      %select_n3A_418 = arith.select %eq3A_416, %jit3A_417, %jit3A_414 : i32
      %rem3A_419 = arith.remsi %add3A_382, %select_n3A_418 : i32
      %ne3A_420 = arith.constant 0 : i32
      %ne3A_421 = arith.cmpi ne, %rem3A_419, %ne3A_420 : i32
      %lt3A_422 = arith.constant 0 : i32
      %lt3A_423 = arith.cmpi slt, %rem3A_419, %lt3A_422 : i32
      %lt3A_424 = arith.constant 0 : i32
      %lt3A_425 = arith.cmpi slt, %select_n3A_418, %lt3A_424 : i32
      %ne3A_426 = arith.xori %lt3A_423, %lt3A_425 : i1
      %and3A_427 = arith.andi %ne3A_426, %ne3A_421 : i1
      %add3A_428 = arith.addi %rem3A_419, %select_n3A_418 : i32
      %select_n3A_429 = arith.select %and3A_427, %add3A_428, %rem3A_419 : i32
      %mul3A_430 = arith.constant 32 : i32
      %mul3A_431 = arith.muli %select_n3A_429, %mul3A_430 : i32
      %add3A_432 = arith.addi %mul3A_2, %mul3A_431 : i32
      %dma_start3A_433 = arith.constant 0 : i32
      %dma_start3A_434 = tpu.memref_slice %arg4[%select_n3A_413, %add3A_432, %dma_start3A_433] : memref<50x4096x512xf32, #tpu.memory_space<hbm>> -> memref<1x32x512xf32, #tpu.memory_space<hbm>>
      %dma_start3A_435 = tpu.memref_squeeze %dma_start3A_434 : memref<1x32x512xf32, #tpu.memory_space<hbm>> -> memref<32x512xf32, #tpu.memory_space<hbm>>
      %dma_start3A_436 = arith.constant 0 : i32
      %dma_start3A_437 = tpu.memref_slice %arg4[%select_n3A_413, %add3A_432, %dma_start3A_436] : memref<50x4096x512xf32, #tpu.memory_space<hbm>> -> memref<1x32x512xf32, #tpu.memory_space<hbm>>
      %dma_start3A_438 = tpu.memref_squeeze %dma_start3A_437 : memref<1x32x512xf32, #tpu.memory_space<hbm>> -> memref<32x512xf32, #tpu.memory_space<hbm>>
      tpu.enqueue_dma source(%arg11 : memref<32x512xf32, #tpu.memory_space<vmem>>) target(%dma_start3A_438 : memref<32x512xf32, #tpu.memory_space<hbm>>) target_semaphore(%arg23 : memref<!tpu.dma_semaphore, #tpu.memory_space<semaphore_mem>>)
      %add3A_439 = arith.constant 4 : i32
      %add3A_440 = arith.addi %add3A_382, %add3A_439 : i32
      %lt3A_441 = arith.constant 200 : i32
      %lt3A_442 = arith.cmpi slt, %add3A_440, %lt3A_441 : i32
      %convert_element_type3A_443 = arith.extui %lt3A_442 : i1 to i32
      %cond3A_444 = arith.constant 0 : i32
      %cond3A_445 = arith.cmpi ne, %convert_element_type3A_443, %cond3A_444 : i32
      scf.if %cond3A_445 {
        %ge3A = arith.constant 2 : i32
        %ge3A_511 = arith.cmpi sge, %add3A_382, %ge3A : i32
        %convert_element_type3A_512 = arith.extui %ge3A_511 : i1 to i32
        %cond3A_513 = arith.constant 0 : i32
        %cond3A_514 = arith.cmpi ne, %convert_element_type3A_512, %cond3A_513 : i32
        scf.if %cond3A_514 {
          %dma_wait3A_564 = arith.constant 0 : i32
          %dma_wait3A_565 = arith.constant 0 : i32
          %dma_wait3A_566 = arith.constant 0 : i32
          %dma_wait3A_567 = tpu.memref_slice %arg4[%dma_wait3A_564, %dma_wait3A_565, %dma_wait3A_566] : memref<50x4096x512xf32, #tpu.memory_space<hbm>> -> memref<1x32x512xf32, #tpu.memory_space<hbm>>
          %dma_wait3A_568 = tpu.memref_squeeze %dma_wait3A_567 : memref<1x32x512xf32, #tpu.memory_space<hbm>> -> memref<32x512xf32, #tpu.memory_space<hbm>>
          %dma_wait3A_569 = arith.constant 0 : i32
          %dma_wait3A_570 = arith.constant 0 : i32
          %dma_wait3A_571 = tpu.memref_slice %arg4[%dma_wait3A_564, %dma_wait3A_569, %dma_wait3A_570] : memref<50x4096x512xf32, #tpu.memory_space<hbm>> -> memref<1x32x512xf32, #tpu.memory_space<hbm>>
          %dma_wait3A_572 = tpu.memref_squeeze %dma_wait3A_571 : memref<1x32x512xf32, #tpu.memory_space<hbm>> -> memref<32x512xf32, #tpu.memory_space<hbm>>
          tpu.wait_dma2 semaphore(%arg21 : memref<!tpu.dma_semaphore, #tpu.memory_space<semaphore_mem>>) src(%arg9 : memref<32x512xf32, #tpu.memory_space<vmem>>) dst(%dma_wait3A_572 : memref<32x512xf32, #tpu.memory_space<hbm>>)
        } else {
        }
        %add3A_515 = arith.constant 4 : i32
        %add3A_516 = arith.addi %add3A_382, %add3A_515 : i32
        %jit3A_517 = arith.constant 4 : i32
        %div3A_518 = arith.divsi %add3A_516, %jit3A_517 : i32
        %sign3A_519 = arith.constant 0 : i32
        %sign3A_520 = arith.cmpi sgt, %add3A_516, %sign3A_519 : i32
        %sign3A_521 = arith.extui %sign3A_520 : i1 to i32
        %sign3A_522 = arith.constant 0 : i32
        %sign3A_523 = arith.cmpi slt, %add3A_516, %sign3A_522 : i32
        %sign3A_524 = arith.extui %sign3A_523 : i1 to i32
        %sign3A_525 = arith.subi %sign3A_521, %sign3A_524 : i32
        %sign3A_526 = arith.constant 0 : i32
        %sign3A_527 = arith.cmpi sgt, %jit3A_517, %sign3A_526 : i32
        %sign3A_528 = arith.extui %sign3A_527 : i1 to i32
        %sign3A_529 = arith.constant 0 : i32
        %sign3A_530 = arith.cmpi slt, %jit3A_517, %sign3A_529 : i32
        %sign3A_531 = arith.extui %sign3A_530 : i1 to i32
        %sign3A_532 = arith.subi %sign3A_528, %sign3A_531 : i32
        %ne3A_533 = arith.cmpi ne, %sign3A_525, %sign3A_532 : i32
        %rem3A_534 = arith.remsi %add3A_516, %jit3A_517 : i32
        %ne3A_535 = arith.constant 0 : i32
        %ne3A_536 = arith.cmpi ne, %rem3A_534, %ne3A_535 : i32
        %and3A_537 = arith.andi %ne3A_533, %ne3A_536 : i1
        %sub3A_538 = arith.constant 1 : i32
        %sub3A_539 = arith.subi %div3A_518, %sub3A_538 : i32
        %select_n3A_540 = arith.select %and3A_537, %sub3A_539, %div3A_518 : i32
        %jit3A_541 = arith.constant 4 : i32
        %eq3A_542 = arith.constant 0 : i32
        %eq3A_543 = arith.cmpi eq, %jit3A_541, %eq3A_542 : i32
        %jit3A_544 = arith.constant 1 : i32
        %select_n3A_545 = arith.select %eq3A_543, %jit3A_544, %jit3A_541 : i32
        %rem3A_546 = arith.remsi %add3A_516, %select_n3A_545 : i32
        %ne3A_547 = arith.constant 0 : i32
        %ne3A_548 = arith.cmpi ne, %rem3A_546, %ne3A_547 : i32
        %lt3A_549 = arith.constant 0 : i32
        %lt3A_550 = arith.cmpi slt, %rem3A_546, %lt3A_549 : i32
        %lt3A_551 = arith.constant 0 : i32
        %lt3A_552 = arith.cmpi slt, %select_n3A_545, %lt3A_551 : i32
        %ne3A_553 = arith.xori %lt3A_550, %lt3A_552 : i1
        %and3A_554 = arith.andi %ne3A_553, %ne3A_548 : i1
        %add3A_555 = arith.addi %rem3A_546, %select_n3A_545 : i32
        %select_n3A_556 = arith.select %and3A_554, %add3A_555, %rem3A_546 : i32
        %mul3A_557 = arith.constant 32 : i32
        %mul3A_558 = arith.muli %select_n3A_556, %mul3A_557 : i32
        %dma_start3A_559 = tpu.memref_slice %arg5[%select_n3A_540, %mul3A_558] : memref<50x128xi32, #tpu.memory_space<vmem>> -> memref<1x32xi32, #tpu.memory_space<vmem>>
        %dma_start3A_560 = tpu.memref_squeeze %dma_start3A_559 : memref<1x32xi32, #tpu.memory_space<vmem>> -> memref<32xi32, #tpu.memory_space<vmem>>
        %dma_start3A_561 = arith.constant 0 : i32
        %dma_start3A_562 = arith.constant 0 : i32
        %dma_start3A_563 = tpu.memref_slice %arg3[%dma_start3A_561, %dma_start3A_562] : memref<100000x512xf32, #tpu.memory_space<hbm>> -> memref<100000x512xf32, #tpu.memory_space<hbm>>
        tpu.enqueue_indirect_dma source(%dma_start3A_563 : memref<100000x512xf32, #tpu.memory_space<hbm>>) target(%arg9 : memref<32x512xf32, #tpu.memory_space<vmem>>) offsets(%dma_start3A_560 : memref<32xi32, #tpu.memory_space<vmem>>) semaphore(%arg15 : memref<!tpu.dma_semaphore, #tpu.memory_space<semaphore_mem>>)
      } else {
      }
      %add3A_446 = arith.constant 5 : i32
      %add3A_447 = arith.addi %mul3A_132, %add3A_446 : i32
      %dma_wait3A_448 = arith.constant 0 : i32
      %dma_wait3A_449 = arith.constant 0 : i32
      %dma_wait3A_450 = tpu.memref_slice %arg5[%dma_wait3A_448, %dma_wait3A_449] : memref<50x128xi32, #tpu.memory_space<vmem>> -> memref<1x32xi32, #tpu.memory_space<vmem>>
      %dma_wait3A_451 = tpu.memref_squeeze %dma_wait3A_450 : memref<1x32xi32, #tpu.memory_space<vmem>> -> memref<32xi32, #tpu.memory_space<vmem>>
      %dma_wait3A_452 = arith.constant 0 : i32
      %dma_wait3A_453 = arith.constant 0 : i32
      %dma_wait3A_454 = tpu.memref_slice %arg3[%dma_wait3A_452, %dma_wait3A_453] : memref<100000x512xf32, #tpu.memory_space<hbm>> -> memref<100000x512xf32, #tpu.memory_space<hbm>>
      tpu.wait_indirect_dma semaphore(%arg18 : memref<!tpu.dma_semaphore, #tpu.memory_space<semaphore_mem>>) src(%dma_wait3A_454 : memref<100000x512xf32, #tpu.memory_space<hbm>>) dst(%arg12 : memref<32x512xf32, #tpu.memory_space<vmem>>)
      %jit3A_455 = arith.constant 4 : i32
      %div3A_456 = arith.divsi %add3A_447, %jit3A_455 : i32
      %sign3A_457 = arith.constant 0 : i32
      %sign3A_458 = arith.cmpi sgt, %add3A_447, %sign3A_457 : i32
      %sign3A_459 = arith.extui %sign3A_458 : i1 to i32
      %sign3A_460 = arith.constant 0 : i32
      %sign3A_461 = arith.cmpi slt, %add3A_447, %sign3A_460 : i32
      %sign3A_462 = arith.extui %sign3A_461 : i1 to i32
      %sign3A_463 = arith.subi %sign3A_459, %sign3A_462 : i32
      %sign3A_464 = arith.constant 0 : i32
      %sign3A_465 = arith.cmpi sgt, %jit3A_455, %sign3A_464 : i32
      %sign3A_466 = arith.extui %sign3A_465 : i1 to i32
      %sign3A_467 = arith.constant 0 : i32
      %sign3A_468 = arith.cmpi slt, %jit3A_455, %sign3A_467 : i32
      %sign3A_469 = arith.extui %sign3A_468 : i1 to i32
      %sign3A_470 = arith.subi %sign3A_466, %sign3A_469 : i32
      %ne3A_471 = arith.cmpi ne, %sign3A_463, %sign3A_470 : i32
      %rem3A_472 = arith.remsi %add3A_447, %jit3A_455 : i32
      %ne3A_473 = arith.constant 0 : i32
      %ne3A_474 = arith.cmpi ne, %rem3A_472, %ne3A_473 : i32
      %and3A_475 = arith.andi %ne3A_471, %ne3A_474 : i1
      %sub3A_476 = arith.constant 1 : i32
      %sub3A_477 = arith.subi %div3A_456, %sub3A_476 : i32
      %select_n3A_478 = arith.select %and3A_475, %sub3A_477, %div3A_456 : i32
      %jit3A_479 = arith.constant 4 : i32
      %eq3A_480 = arith.constant 0 : i32
      %eq3A_481 = arith.cmpi eq, %jit3A_479, %eq3A_480 : i32
      %jit3A_482 = arith.constant 1 : i32
      %select_n3A_483 = arith.select %eq3A_481, %jit3A_482, %jit3A_479 : i32
      %rem3A_484 = arith.remsi %add3A_447, %select_n3A_483 : i32
      %ne3A_485 = arith.constant 0 : i32
      %ne3A_486 = arith.cmpi ne, %rem3A_484, %ne3A_485 : i32
      %lt3A_487 = arith.constant 0 : i32
      %lt3A_488 = arith.cmpi slt, %rem3A_484, %lt3A_487 : i32
      %lt3A_489 = arith.constant 0 : i32
      %lt3A_490 = arith.cmpi slt, %select_n3A_483, %lt3A_489 : i32
      %ne3A_491 = arith.xori %lt3A_488, %lt3A_490 : i1
      %and3A_492 = arith.andi %ne3A_491, %ne3A_486 : i1
      %add3A_493 = arith.addi %rem3A_484, %select_n3A_483 : i32
      %select_n3A_494 = arith.select %and3A_492, %add3A_493, %rem3A_484 : i32
      %mul3A_495 = arith.constant 32 : i32
      %mul3A_496 = arith.muli %select_n3A_494, %mul3A_495 : i32
      %add3A_497 = arith.addi %mul3A_2, %mul3A_496 : i32
      %dma_start3A_498 = arith.constant 0 : i32
      %dma_start3A_499 = tpu.memref_slice %arg4[%select_n3A_478, %add3A_497, %dma_start3A_498] : memref<50x4096x512xf32, #tpu.memory_space<hbm>> -> memref<1x32x512xf32, #tpu.memory_space<hbm>>
      %dma_start3A_500 = tpu.memref_squeeze %dma_start3A_499 : memref<1x32x512xf32, #tpu.memory_space<hbm>> -> memref<32x512xf32, #tpu.memory_space<hbm>>
      %dma_start3A_501 = arith.constant 0 : i32
      %dma_start3A_502 = tpu.memref_slice %arg4[%select_n3A_478, %add3A_497, %dma_start3A_501] : memref<50x4096x512xf32, #tpu.memory_space<hbm>> -> memref<1x32x512xf32, #tpu.memory_space<hbm>>
      %dma_start3A_503 = tpu.memref_squeeze %dma_start3A_502 : memref<1x32x512xf32, #tpu.memory_space<hbm>> -> memref<32x512xf32, #tpu.memory_space<hbm>>
      tpu.enqueue_dma source(%arg12 : memref<32x512xf32, #tpu.memory_space<vmem>>) target(%dma_start3A_503 : memref<32x512xf32, #tpu.memory_space<hbm>>) target_semaphore(%arg24 : memref<!tpu.dma_semaphore, #tpu.memory_space<semaphore_mem>>)
      %add3A_504 = arith.constant 4 : i32
      %add3A_505 = arith.addi %add3A_447, %add3A_504 : i32
      %lt3A_506 = arith.constant 200 : i32
      %lt3A_507 = arith.cmpi slt, %add3A_505, %lt3A_506 : i32
      %convert_element_type3A_508 = arith.extui %lt3A_507 : i1 to i32
      %cond3A_509 = arith.constant 0 : i32
      %cond3A_510 = arith.cmpi ne, %convert_element_type3A_508, %cond3A_509 : i32
      scf.if %cond3A_510 {
        %ge3A = arith.constant 2 : i32
        %ge3A_511 = arith.cmpi sge, %add3A_447, %ge3A : i32
        %convert_element_type3A_512 = arith.extui %ge3A_511 : i1 to i32
        %cond3A_513 = arith.constant 0 : i32
        %cond3A_514 = arith.cmpi ne, %convert_element_type3A_512, %cond3A_513 : i32
        scf.if %cond3A_514 {
          %dma_wait3A_564 = arith.constant 0 : i32
          %dma_wait3A_565 = arith.constant 0 : i32
          %dma_wait3A_566 = arith.constant 0 : i32
          %dma_wait3A_567 = tpu.memref_slice %arg4[%dma_wait3A_564, %dma_wait3A_565, %dma_wait3A_566] : memref<50x4096x512xf32, #tpu.memory_space<hbm>> -> memref<1x32x512xf32, #tpu.memory_space<hbm>>
          %dma_wait3A_568 = tpu.memref_squeeze %dma_wait3A_567 : memref<1x32x512xf32, #tpu.memory_space<hbm>> -> memref<32x512xf32, #tpu.memory_space<hbm>>
          %dma_wait3A_569 = arith.constant 0 : i32
          %dma_wait3A_570 = arith.constant 0 : i32
          %dma_wait3A_571 = tpu.memref_slice %arg4[%dma_wait3A_564, %dma_wait3A_569, %dma_wait3A_570] : memref<50x4096x512xf32, #tpu.memory_space<hbm>> -> memref<1x32x512xf32, #tpu.memory_space<hbm>>
          %dma_wait3A_572 = tpu.memref_squeeze %dma_wait3A_571 : memref<1x32x512xf32, #tpu.memory_space<hbm>> -> memref<32x512xf32, #tpu.memory_space<hbm>>
          tpu.wait_dma2 semaphore(%arg22 : memref<!tpu.dma_semaphore, #tpu.memory_space<semaphore_mem>>) src(%arg10 : memref<32x512xf32, #tpu.memory_space<vmem>>) dst(%dma_wait3A_572 : memref<32x512xf32, #tpu.memory_space<hbm>>)
        } else {
        }
        %add3A_515 = arith.constant 4 : i32
        %add3A_516 = arith.addi %add3A_447, %add3A_515 : i32
        %jit3A_517 = arith.constant 4 : i32
        %div3A_518 = arith.divsi %add3A_516, %jit3A_517 : i32
        %sign3A_519 = arith.constant 0 : i32
        %sign3A_520 = arith.cmpi sgt, %add3A_516, %sign3A_519 : i32
        %sign3A_521 = arith.extui %sign3A_520 : i1 to i32
        %sign3A_522 = arith.constant 0 : i32
        %sign3A_523 = arith.cmpi slt, %add3A_516, %sign3A_522 : i32
        %sign3A_524 = arith.extui %sign3A_523 : i1 to i32
        %sign3A_525 = arith.subi %sign3A_521, %sign3A_524 : i32
        %sign3A_526 = arith.constant 0 : i32
        %sign3A_527 = arith.cmpi sgt, %jit3A_517, %sign3A_526 : i32
        %sign3A_528 = arith.extui %sign3A_527 : i1 to i32
        %sign3A_529 = arith.constant 0 : i32
        %sign3A_530 = arith.cmpi slt, %jit3A_517, %sign3A_529 : i32
        %sign3A_531 = arith.extui %sign3A_530 : i1 to i32
        %sign3A_532 = arith.subi %sign3A_528, %sign3A_531 : i32
        %ne3A_533 = arith.cmpi ne, %sign3A_525, %sign3A_532 : i32
        %rem3A_534 = arith.remsi %add3A_516, %jit3A_517 : i32
        %ne3A_535 = arith.constant 0 : i32
        %ne3A_536 = arith.cmpi ne, %rem3A_534, %ne3A_535 : i32
        %and3A_537 = arith.andi %ne3A_533, %ne3A_536 : i1
        %sub3A_538 = arith.constant 1 : i32
        %sub3A_539 = arith.subi %div3A_518, %sub3A_538 : i32
        %select_n3A_540 = arith.select %and3A_537, %sub3A_539, %div3A_518 : i32
        %jit3A_541 = arith.constant 4 : i32
        %eq3A_542 = arith.constant 0 : i32
        %eq3A_543 = arith.cmpi eq, %jit3A_541, %eq3A_542 : i32
        %jit3A_544 = arith.constant 1 : i32
        %select_n3A_545 = arith.select %eq3A_543, %jit3A_544, %jit3A_541 : i32
        %rem3A_546 = arith.remsi %add3A_516, %select_n3A_545 : i32
        %ne3A_547 = arith.constant 0 : i32
        %ne3A_548 = arith.cmpi ne, %rem3A_546, %ne3A_547 : i32
        %lt3A_549 = arith.constant 0 : i32
        %lt3A_550 = arith.cmpi slt, %rem3A_546, %lt3A_549 : i32
        %lt3A_551 = arith.constant 0 : i32
        %lt3A_552 = arith.cmpi slt, %select_n3A_545, %lt3A_551 : i32
        %ne3A_553 = arith.xori %lt3A_550, %lt3A_552 : i1
        %and3A_554 = arith.andi %ne3A_553, %ne3A_548 : i1
        %add3A_555 = arith.addi %rem3A_546, %select_n3A_545 : i32
        %select_n3A_556 = arith.select %and3A_554, %add3A_555, %rem3A_546 : i32
        %mul3A_557 = arith.constant 32 : i32
        %mul3A_558 = arith.muli %select_n3A_556, %mul3A_557 : i32
        %dma_start3A_559 = tpu.memref_slice %arg5[%select_n3A_540, %mul3A_558] : memref<50x128xi32, #tpu.memory_space<vmem>> -> memref<1x32xi32, #tpu.memory_space<vmem>>
        %dma_start3A_560 = tpu.memref_squeeze %dma_start3A_559 : memref<1x32xi32, #tpu.memory_space<vmem>> -> memref<32xi32, #tpu.memory_space<vmem>>
        %dma_start3A_561 = arith.constant 0 : i32
        %dma_start3A_562 = arith.constant 0 : i32
        %dma_start3A_563 = tpu.memref_slice %arg3[%dma_start3A_561, %dma_start3A_562] : memref<100000x512xf32, #tpu.memory_space<hbm>> -> memref<100000x512xf32, #tpu.memory_space<hbm>>
        tpu.enqueue_indirect_dma source(%dma_start3A_563 : memref<100000x512xf32, #tpu.memory_space<hbm>>) target(%arg10 : memref<32x512xf32, #tpu.memory_space<vmem>>) offsets(%dma_start3A_560 : memref<32xi32, #tpu.memory_space<vmem>>) semaphore(%arg16 : memref<!tpu.dma_semaphore, #tpu.memory_space<semaphore_mem>>)
      } else {
      }
    }
    %scan3A_43 = arith.constant 33 : i32
    %dma_wait3A_44 = arith.constant 0 : i32
    %dma_wait3A_45 = arith.constant 0 : i32
    %dma_wait3A_46 = tpu.memref_slice %arg5[%dma_wait3A_44, %dma_wait3A_45] : memref<50x128xi32, #tpu.memory_space<vmem>> -> memref<1x32xi32, #tpu.memory_space<vmem>>
    %dma_wait3A_47 = tpu.memref_squeeze %dma_wait3A_46 : memref<1x32xi32, #tpu.memory_space<vmem>> -> memref<32xi32, #tpu.memory_space<vmem>>
    %dma_wait3A_48 = arith.constant 0 : i32
    %dma_wait3A_49 = arith.constant 0 : i32
    %dma_wait3A_50 = tpu.memref_slice %arg3[%dma_wait3A_48, %dma_wait3A_49] : memref<100000x512xf32, #tpu.memory_space<hbm>> -> memref<100000x512xf32, #tpu.memory_space<hbm>>
    tpu.wait_indirect_dma semaphore(%arg13 : memref<!tpu.dma_semaphore, #tpu.memory_space<semaphore_mem>>) src(%dma_wait3A_50 : memref<100000x512xf32, #tpu.memory_space<hbm>>) dst(%arg7 : memref<32x512xf32, #tpu.memory_space<vmem>>)
    %add3A_51 = arith.constant 64 : i32
    %add3A_52 = arith.addi %mul3A_2, %add3A_51 : i32
    %dma_start3A_53 = arith.constant 49 : i32
    %dma_start3A_54 = arith.constant 0 : i32
    %dma_start3A_55 = tpu.memref_slice %arg4[%dma_start3A_53, %add3A_52, %dma_start3A_54] : memref<50x4096x512xf32, #tpu.memory_space<hbm>> -> memref<1x32x512xf32, #tpu.memory_space<hbm>>
    %dma_start3A_56 = tpu.memref_squeeze %dma_start3A_55 : memref<1x32x512xf32, #tpu.memory_space<hbm>> -> memref<32x512xf32, #tpu.memory_space<hbm>>
    %dma_start3A_57 = arith.constant 0 : i32
    %dma_start3A_58 = tpu.memref_slice %arg4[%dma_start3A_53, %add3A_52, %dma_start3A_57] : memref<50x4096x512xf32, #tpu.memory_space<hbm>> -> memref<1x32x512xf32, #tpu.memory_space<hbm>>
    %dma_start3A_59 = tpu.memref_squeeze %dma_start3A_58 : memref<1x32x512xf32, #tpu.memory_space<hbm>> -> memref<32x512xf32, #tpu.memory_space<hbm>>
    tpu.enqueue_dma source(%arg7 : memref<32x512xf32, #tpu.memory_space<vmem>>) target(%dma_start3A_59 : memref<32x512xf32, #tpu.memory_space<hbm>>) target_semaphore(%arg19 : memref<!tpu.dma_semaphore, #tpu.memory_space<semaphore_mem>>)
    %dma_wait3A_60 = arith.constant 0 : i32
    %dma_wait3A_61 = arith.constant 0 : i32
    %dma_wait3A_62 = tpu.memref_slice %arg5[%dma_wait3A_60, %dma_wait3A_61] : memref<50x128xi32, #tpu.memory_space<vmem>> -> memref<1x32xi32, #tpu.memory_space<vmem>>
    %dma_wait3A_63 = tpu.memref_squeeze %dma_wait3A_62 : memref<1x32xi32, #tpu.memory_space<vmem>> -> memref<32xi32, #tpu.memory_space<vmem>>
    %dma_wait3A_64 = arith.constant 0 : i32
    %dma_wait3A_65 = arith.constant 0 : i32
    %dma_wait3A_66 = tpu.memref_slice %arg3[%dma_wait3A_64, %dma_wait3A_65] : memref<100000x512xf32, #tpu.memory_space<hbm>> -> memref<100000x512xf32, #tpu.memory_space<hbm>>
    tpu.wait_indirect_dma semaphore(%arg14 : memref<!tpu.dma_semaphore, #tpu.memory_space<semaphore_mem>>) src(%dma_wait3A_66 : memref<100000x512xf32, #tpu.memory_space<hbm>>) dst(%arg8 : memref<32x512xf32, #tpu.memory_space<vmem>>)
    %add3A_67 = arith.constant 96 : i32
    %add3A_68 = arith.addi %mul3A_2, %add3A_67 : i32
    %dma_start3A_69 = arith.constant 49 : i32
    %dma_start3A_70 = arith.constant 0 : i32
    %dma_start3A_71 = tpu.memref_slice %arg4[%dma_start3A_69, %add3A_68, %dma_start3A_70] : memref<50x4096x512xf32, #tpu.memory_space<hbm>> -> memref<1x32x512xf32, #tpu.memory_space<hbm>>
    %dma_start3A_72 = tpu.memref_squeeze %dma_start3A_71 : memref<1x32x512xf32, #tpu.memory_space<hbm>> -> memref<32x512xf32, #tpu.memory_space<hbm>>
    %dma_start3A_73 = arith.constant 0 : i32
    %dma_start3A_74 = tpu.memref_slice %arg4[%dma_start3A_69, %add3A_68, %dma_start3A_73] : memref<50x4096x512xf32, #tpu.memory_space<hbm>> -> memref<1x32x512xf32, #tpu.memory_space<hbm>>
    %dma_start3A_75 = tpu.memref_squeeze %dma_start3A_74 : memref<1x32x512xf32, #tpu.memory_space<hbm>> -> memref<32x512xf32, #tpu.memory_space<hbm>>
    tpu.enqueue_dma source(%arg8 : memref<32x512xf32, #tpu.memory_space<vmem>>) target(%dma_start3A_75 : memref<32x512xf32, #tpu.memory_space<hbm>>) target_semaphore(%arg20 : memref<!tpu.dma_semaphore, #tpu.memory_space<semaphore_mem>>)
    %dma_wait3A_76 = arith.constant 0 : i32
    %dma_wait3A_77 = arith.constant 0 : i32
    %dma_wait3A_78 = arith.constant 0 : i32
    %dma_wait3A_79 = tpu.memref_slice %arg4[%dma_wait3A_76, %dma_wait3A_77, %dma_wait3A_78] : memref<50x4096x512xf32, #tpu.memory_space<hbm>> -> memref<1x32x512xf32, #tpu.memory_space<hbm>>
    %dma_wait3A_80 = tpu.memref_squeeze %dma_wait3A_79 : memref<1x32x512xf32, #tpu.memory_space<hbm>> -> memref<32x512xf32, #tpu.memory_space<hbm>>
    %dma_wait3A_81 = arith.constant 0 : i32
    %dma_wait3A_82 = arith.constant 0 : i32
    %dma_wait3A_83 = tpu.memref_slice %arg4[%dma_wait3A_76, %dma_wait3A_81, %dma_wait3A_82] : memref<50x4096x512xf32, #tpu.memory_space<hbm>> -> memref<1x32x512xf32, #tpu.memory_space<hbm>>
    %dma_wait3A_84 = tpu.memref_squeeze %dma_wait3A_83 : memref<1x32x512xf32, #tpu.memory_space<hbm>> -> memref<32x512xf32, #tpu.memory_space<hbm>>
    tpu.wait_dma2 semaphore(%arg19 : memref<!tpu.dma_semaphore, #tpu.memory_space<semaphore_mem>>) src(%arg7 : memref<32x512xf32, #tpu.memory_space<vmem>>) dst(%dma_wait3A_84 : memref<32x512xf32, #tpu.memory_space<hbm>>)
    %dma_wait3A_85 = arith.constant 0 : i32
    %dma_wait3A_86 = arith.constant 0 : i32
    %dma_wait3A_87 = arith.constant 0 : i32
    %dma_wait3A_88 = tpu.memref_slice %arg4[%dma_wait3A_85, %dma_wait3A_86, %dma_wait3A_87] : memref<50x4096x512xf32, #tpu.memory_space<hbm>> -> memref<1x32x512xf32, #tpu.memory_space<hbm>>
    %dma_wait3A_89 = tpu.memref_squeeze %dma_wait3A_88 : memref<1x32x512xf32, #tpu.memory_space<hbm>> -> memref<32x512xf32, #tpu.memory_space<hbm>>
    %dma_wait3A_90 = arith.constant 0 : i32
    %dma_wait3A_91 = arith.constant 0 : i32
    %dma_wait3A_92 = tpu.memref_slice %arg4[%dma_wait3A_85, %dma_wait3A_90, %dma_wait3A_91] : memref<50x4096x512xf32, #tpu.memory_space<hbm>> -> memref<1x32x512xf32, #tpu.memory_space<hbm>>
    %dma_wait3A_93 = tpu.memref_squeeze %dma_wait3A_92 : memref<1x32x512xf32, #tpu.memory_space<hbm>> -> memref<32x512xf32, #tpu.memory_space<hbm>>
    tpu.wait_dma2 semaphore(%arg20 : memref<!tpu.dma_semaphore, #tpu.memory_space<semaphore_mem>>) src(%arg8 : memref<32x512xf32, #tpu.memory_space<vmem>>) dst(%dma_wait3A_93 : memref<32x512xf32, #tpu.memory_space<hbm>>)
    %dma_wait3A_94 = arith.constant 0 : i32
    %dma_wait3A_95 = arith.constant 0 : i32
    %dma_wait3A_96 = arith.constant 0 : i32
    %dma_wait3A_97 = tpu.memref_slice %arg4[%dma_wait3A_94, %dma_wait3A_95, %dma_wait3A_96] : memref<50x4096x512xf32, #tpu.memory_space<hbm>> -> memref<1x32x512xf32, #tpu.memory_space<hbm>>
    %dma_wait3A_98 = tpu.memref_squeeze %dma_wait3A_97 : memref<1x32x512xf32, #tpu.memory_space<hbm>> -> memref<32x512xf32, #tpu.memory_space<hbm>>
    %dma_wait3A_99 = arith.constant 0 : i32
    %dma_wait3A_100 = arith.constant 0 : i32
    %dma_wait3A_101 = tpu.memref_slice %arg4[%dma_wait3A_94, %dma_wait3A_99, %dma_wait3A_100] : memref<50x4096x512xf32, #tpu.memory_space<hbm>> -> memref<1x32x512xf32, #tpu.memory_space<hbm>>
    %dma_wait3A_102 = tpu.memref_squeeze %dma_wait3A_101 : memref<1x32x512xf32, #tpu.memory_space<hbm>> -> memref<32x512xf32, #tpu.memory_space<hbm>>
    tpu.wait_dma2 semaphore(%arg21 : memref<!tpu.dma_semaphore, #tpu.memory_space<semaphore_mem>>) src(%arg9 : memref<32x512xf32, #tpu.memory_space<vmem>>) dst(%dma_wait3A_102 : memref<32x512xf32, #tpu.memory_space<hbm>>)
    %dma_wait3A_103 = arith.constant 0 : i32
    %dma_wait3A_104 = arith.constant 0 : i32
    %dma_wait3A_105 = arith.constant 0 : i32
    %dma_wait3A_106 = tpu.memref_slice %arg4[%dma_wait3A_103, %dma_wait3A_104, %dma_wait3A_105] : memref<50x4096x512xf32, #tpu.memory_space<hbm>> -> memref<1x32x512xf32, #tpu.memory_space<hbm>>
    %dma_wait3A_107 = tpu.memref_squeeze %dma_wait3A_106 : memref<1x32x512xf32, #tpu.memory_space<hbm>> -> memref<32x512xf32, #tpu.memory_space<hbm>>
    %dma_wait3A_108 = arith.constant 0 : i32
    %dma_wait3A_109 = arith.constant 0 : i32
    %dma_wait3A_110 = tpu.memref_slice %arg4[%dma_wait3A_103, %dma_wait3A_108, %dma_wait3A_109] : memref<50x4096x512xf32, #tpu.memory_space<hbm>> -> memref<1x32x512xf32, #tpu.memory_space<hbm>>
    %dma_wait3A_111 = tpu.memref_squeeze %dma_wait3A_110 : memref<1x32x512xf32, #tpu.memory_space<hbm>> -> memref<32x512xf32, #tpu.memory_space<hbm>>
    tpu.wait_dma2 semaphore(%arg22 : memref<!tpu.dma_semaphore, #tpu.memory_space<semaphore_mem>>) src(%arg10 : memref<32x512xf32, #tpu.memory_space<vmem>>) dst(%dma_wait3A_111 : memref<32x512xf32, #tpu.memory_space<hbm>>)
    %dma_wait3A_112 = arith.constant 0 : i32
    %dma_wait3A_113 = arith.constant 0 : i32
    %dma_wait3A_114 = arith.constant 0 : i32
    %dma_wait3A_115 = tpu.memref_slice %arg4[%dma_wait3A_112, %dma_wait3A_113, %dma_wait3A_114] : memref<50x4096x512xf32, #tpu.memory_space<hbm>> -> memref<1x32x512xf32, #tpu.memory_space<hbm>>
    %dma_wait3A_116 = tpu.memref_squeeze %dma_wait3A_115 : memref<1x32x512xf32, #tpu.memory_space<hbm>> -> memref<32x512xf32, #tpu.memory_space<hbm>>
    %dma_wait3A_117 = arith.constant 0 : i32
    %dma_wait3A_118 = arith.constant 0 : i32
    %dma_wait3A_119 = tpu.memref_slice %arg4[%dma_wait3A_112, %dma_wait3A_117, %dma_wait3A_118] : memref<50x4096x512xf32, #tpu.memory_space<hbm>> -> memref<1x32x512xf32, #tpu.memory_space<hbm>>
    %dma_wait3A_120 = tpu.memref_squeeze %dma_wait3A_119 : memref<1x32x512xf32, #tpu.memory_space<hbm>> -> memref<32x512xf32, #tpu.memory_space<hbm>>
    tpu.wait_dma2 semaphore(%arg23 : memref<!tpu.dma_semaphore, #tpu.memory_space<semaphore_mem>>) src(%arg11 : memref<32x512xf32, #tpu.memory_space<vmem>>) dst(%dma_wait3A_120 : memref<32x512xf32, #tpu.memory_space<hbm>>)
    %dma_wait3A_121 = arith.constant 0 : i32
    %dma_wait3A_122 = arith.constant 0 : i32
    %dma_wait3A_123 = arith.constant 0 : i32
    %dma_wait3A_124 = tpu.memref_slice %arg4[%dma_wait3A_121, %dma_wait3A_122, %dma_wait3A_123] : memref<50x4096x512xf32, #tpu.memory_space<hbm>> -> memref<1x32x512xf32, #tpu.memory_space<hbm>>
    %dma_wait3A_125 = tpu.memref_squeeze %dma_wait3A_124 : memref<1x32x512xf32, #tpu.memory_space<hbm>> -> memref<32x512xf32, #tpu.memory_space<hbm>>
    %dma_wait3A_126 = arith.constant 0 : i32
    %dma_wait3A_127 = arith.constant 0 : i32
    %dma_wait3A_128 = tpu.memref_slice %arg4[%dma_wait3A_121, %dma_wait3A_126, %dma_wait3A_127] : memref<50x4096x512xf32, #tpu.memory_space<hbm>> -> memref<1x32x512xf32, #tpu.memory_space<hbm>>
    %dma_wait3A_129 = tpu.memref_squeeze %dma_wait3A_128 : memref<1x32x512xf32, #tpu.memory_space<hbm>> -> memref<32x512xf32, #tpu.memory_space<hbm>>
    tpu.wait_dma2 semaphore(%arg24 : memref<!tpu.dma_semaphore, #tpu.memory_space<semaphore_mem>>) src(%arg12 : memref<32x512xf32, #tpu.memory_space<vmem>>) dst(%dma_wait3A_129 : memref<32x512xf32, #tpu.memory_space<hbm>>)
    return
  }
}

</mosaic_0001>

<sc_bundles>
// kernel: kernel.3.cloned.1.call-start
scs
__scs_entry_jumppad:
0x0: {  	(pc) =	sbr.rel $0x88, $3  }
0x1: {  	(tag) =	ssettag $0x0;
	lr =	simm.s32 $0x1  }
0x2: {  	[smem:$0x3F9F] =	sst lr;
	_ =	strace $0xD0000000  }
0x3: {  	_ = 	snop  }
0x4: {  	_ = 	snop  }
0x5: {  	_ = 	snop  }
0x6: {  	_ = 	snop  }
0x7: {  	_ = 	snop  }
__scs_overlays_trampoline_lowered:
0x8: {  	[smem:$0x3FAE] =	sst s0  }
0x9: {  	[smem:$0x3FAF] =	sst s1  }
0xa: {  	[smem:$0x3FB0] =	sst s2  }
0xb: {  	[smem:$0x3FB1] =	sst s3  }
0xc: {  	[smem:$0x3FB2] =	sst s4  }
0xd: {  	[smem:$0x3FB3] =	sst s5  }
0xe: {  	[smem:$0x3FB4] =	sst s6  }
0xf: {  	[smem:$0x3FB5] =	sst s7  }
0x10: {  	[smem:$0x3FB6] =	sst s8  }
0x11: {  	[smem:$0x3FB7] =	sst s9;
	s0 =	simm.s32 @!p0 $0x0  }
0x12: {  	s1 =	sld [smem:$0x3F9D];
	s0 =	simm.s32 @p0 $0x1  }
0x13: {  	[smem:$0x3FB8] =	sst s0;
	s0 =	simm.s32 @!p1 $0x0  }
0x14: {  	s2 =	sld [smem:$0x3F9C];
	s0 =	simm.s32 @p1 $0x1  }
0x15: {  	[smem:$0x3FB9] =	sst s0;
	s0 =	simm.s32 @!p2 $0x0  }
0x16: {  	s3 =	sld [smem:$0x3FDB];
	s0 =	simm.s32 @p2 $0x1  }
0x17: {  	s4 =	simm.s32 $0x1BF5;
	[smem:$0x3FBB] =	sst s0  }
0x18: {  	s0 =	sld [smem:$0x3F9E];
	_ =	swait.ge [sflag:s4], $0x0  }
0x19: {  	s7 =	sld [smem:$0x3F9F]  }
0x1a: {  	s8 =	sadd.s32 $0xFFFFE003, lr  }
0x1b: {  	s9 =	sadd.s32 $0xFFFFFEF7, lr;
	s5 =	simm.s32 $0xFFFFFFFF;
	p2 =	slt.u32 s8, $0xFFFFF086  }
0x1c: {  	p1 =	slt.u32 s9, $0xF7A;
	s5 =	simm.s32 @!p2 $0x0  }
0x1d: {  	s5 =	simm.s32 @p1 $0x1;
	p0 =	seq.s32 s7, s2  }
0x1e: {  	s7 =	smul.u32 @!p0 $0xF7A, s2;
	p2 =	seq.s32 @!p0 s5, $0x0  }
0x1f: {  	s9 =	smul.u32 $0xF7A, s1;
	s8 =	simm.s32 @!p0 $0x1BF5;
	p2 =	por !p2, p0  }
0x20: {  	[sflag:s8] =	ssyncset.s32 @!p0 $0xFFFFF086;
	s6 =	sadd.s32 @!p0 s3, s7;
	s7 =	simm.s32 @!p0 $0x108  }
0x21: {  	s3 =	sadd.s32 s3, s9;
	s6 =	sadd.s32 @!p0 $0x88, s6;
	s7 =	simm.s32 @p2 $0x1082  }
0x22: {  	[simem:s7], [sflag:s8] =	dma.local @!p0 [hbm:s6], $0xF7A  }
0x23: {  	s9 =	sor.u32 $0xD0000000, s2;
	s6 =	simm.s32 $0x108;
	_ =	swait.ge @!p0 [sflag:s8], $0x0  }
0x24: {  	s3 =	sadd.s32 $0x88, s3;
	s6 =	simm.s32 @!p1 $0x1082;
	[sflag:s4] =	ssyncset.s32 $0xFFFFF086  }
0x25: {  	[simem:s6], [sflag:s4] =	dma.local [hbm:s3], $0xF7A  }
0x26: {  	[smem:$0x3F9F] =	sst s1;
	(tag) =	ssettag s2;
	_ =	strace s9  }
0x27: {  	s1 =	sld [smem:$0x3FAF]  }
0x28: {  	s2 =	sld [smem:$0x3FB0]  }
0x29: {  	s4 =	sld [smem:$0x3FB2]  }
0x2a: {  	p0 =	seq.s32 s5, $0x0;
	s5 =	sld [smem:$0x3FB3]  }
0x2b: {  	s6 =	sld [smem:$0x3FB4]  }
0x2c: {  	s7 =	sld [smem:$0x3FB5]  }
0x2d: {  	s3 =	simm.s32 $0x108;
	s8 =	sld [smem:$0x3FB6]  }
0x2e: {  	s3 =	simm.s32 @!p0 $0x1082;
	s9 =	sld [smem:$0x3FB7]  }
0x2f: {  	lr =	sadd.s32 s0, s3;
	s0 =	sld [smem:$0x3FAE]  }
0x30: {  	s3 =	sld [smem:$0x3FB1]  }
0x31: {  	[smem:$0x3FBA] =	sst s10  }
0x32: {  	s10 =	sld [smem:$0x3FB8];
	_ =	sdelay $0x3  }
0x33: {  	p0 =	seq.s32 s10, $0x1;
	s10 =	sld [smem:$0x3FBA];
	_ =	sdelay $0x3  }
0x34: {  	[smem:$0x3FBA] =	sst s10  }
0x35: {  	s10 =	sld [smem:$0x3FB9];
	_ =	sdelay $0x3  }
0x36: {  	p1 =	seq.s32 s10, $0x1;
	s10 =	sld [smem:$0x3FBA];
	_ =	sdelay $0x3  }
0x37: {  	[smem:$0x3FBA] =	sst s10  }
0x38: {  	s10 =	sld [smem:$0x3FBB]  }
0x39: {  	_ = 	snop;
	(pc) =	sbr.ind lr, $3  }
0x3a: {  	_ = 	snop  }
0x3b: {  	_ = 	snop  }
0x3c: {  	p2 =	seq.s32 s10, $0x1;
	s10 =	sld [smem:$0x3FBA]  }
0x3d: {  	_ =	shalt  }
0x3e: {  	_ =	shalt  }
0x3f: {  	_ =	shalt  }
0x40: {  	_ =	shalt  }
0x41: {  	_ =	shalt  }
0x42: {  	_ =	shalt  }
0x43: {  	_ =	shalt  }
0x44: {  	_ =	shalt  }
0x45: {  	_ =	shalt  }
0x46: {  	_ =	shalt  }
0x47: {  	_ =	shalt  }
0x48: {  	_ =	shalt  }
0x49: {  	_ =	shalt  }
0x4a: {  	_ =	shalt  }
0x4b: {  	_ =	shalt  }
0x4c: {  	_ =	shalt  }
0x4d: {  	_ =	shalt  }
0x4e: {  	_ =	shalt  }
0x4f: {  	_ =	shalt  }
0x50: {  	_ =	shalt  }
0x51: {  	_ =	shalt  }
0x52: {  	_ =	shalt  }
0x53: {  	_ =	shalt  }
0x54: {  	_ =	shalt  }
0x55: {  	_ =	shalt  }
0x56: {  	_ =	shalt  }
0x57: {  	_ =	shalt  }
0x58: {  	_ =	shalt  }
0x59: {  	_ =	shalt  }
0x5a: {  	_ =	shalt  }
0x5b: {  	_ =	shalt  }
0x5c: {  	_ =	shalt  }
0x5d: {  	_ =	shalt  }
0x5e: {  	_ =	shalt  }
0x5f: {  	_ =	shalt  }
0x60: {  	_ =	shalt  }
0x61: {  	_ =	shalt  }
0x62: {  	_ =	shalt  }
0x63: {  	_ =	shalt  }
0x64: {  	_ =	shalt  }
0x65: {  	_ =	shalt  }
0x66: {  	_ =	shalt  }
0x67: {  	_ =	shalt  }
0x68: {  	_ =	shalt  }
0x69: {  	_ =	shalt  }
0x6a: {  	_ =	shalt  }
0x6b: {  	_ =	shalt  }
0x6c: {  	_ =	shalt  }
0x6d: {  	_ =	shalt  }
0x6e: {  	_ =	shalt  }
0x6f: {  	_ =	shalt  }
0x70: {  	_ =	shalt  }
0x71: {  	_ =	shalt  }
0x72: {  	_ =	shalt  }
0x73: {  	_ =	shalt  }
0x74: {  	_ =	shalt  }
0x75: {  	_ =	shalt  }
0x76: {  	_ =	shalt  }
0x77: {  	_ =	shalt  }
0x78: {  	_ =	shalt  }
0x79: {  	_ =	shalt  }
0x7a: {  	_ =	shalt  }
0x7b: {  	_ =	shalt  }
0x7c: {  	_ =	shalt  }
0x7d: {  	_ =	shalt  }
0x7e: {  	_ =	shalt  }
0x7f: {  	_ =	shalt  }
0x80: {  	_ =	shalt  }
0x81: {  	_ =	shalt  }
0x82: {  	_ =	shalt  }
0x83: {  	_ =	shalt  }
0x84: {  	_ =	shalt  }
0x85: {  	_ =	shalt  }
0x86: {  	_ =	shalt  }
0x87: {  	_ =	shalt  }
.Lfunc_end0:
.L_simem_size_0:
called_computation_lowered:
.L_overlay_start_0:
0x88: {  	s2 =	sld [smem:$0x3FD9]  }
0x89: {  	s3 =	sld [smem:$0x3FFE];
	_ =	sdelay $0x1  }
0x8a: {  	s1 =	srdreg.scid  }
0x8b: {  	s0 =	sand.u32 $0x1, s1  }
0x8c: {  	s18 =	sshll.u32 s0, $0xA;
	s2 =	sadd.s32 s3, s2  }
0x8d: {  	s2 =	sadd.s32 s2, s18  }
0x8e: {  	[smem:$0x3FC6] =	sst s2  }
0x8f: {  	_ = 	snop  }
0x90: {  	s2 =	sld [smem:$0x3FC9]  }
0x91: {  	s19 =	sld [smem:$0x3FC8]  }
0x92: {  	s4 =	sld [smem:$0x3FD0];
	(tm) =	ssettm $0x1  }
0x93: {  	s5 =	sld [smem:$0x3FFB];
	_ =	sdelay $0x3  }
0x94: {  	_ =	strace s5  }
0x95: {  	s5 =	sld [smem:$0x3FFC];
	_ =	sdelay $0x3  }
0x96: {  	_ =	strace s5  }
0x97: {  	s5 =	sld [smem:$0x3FFD];
	_ =	sdelay $0x3  }
0x98: {  	_ =	strace s5  }
0x99: {  	_ =	strace $0x8FFFFFFF  }
0x9a: {  	s20 =	sld [smem:$0x3FDB];
	_ =	sdelay $0x1  }
0x9b: {  	s6 =	simm.s32 $_scs_section_size  }
0x9c: {  	s7 =	simm.s32 $_size__tile_overlayer_lowered;
	s8 =	simm.s32 $_tile_overlayer_lowered  }
0x9d: {  	s23 =	simm.s32 $0x1BFF;
	s22 =	sshll.u32 s8, $0x1;
	s5 =	sadd.s32 s6, s20  }
0x9e: {  	s9 =	simm.s32 $0x0;
	s21 =	sshll.u32 s7, $0x1;
	s7 =	sadd.s32 s22, s5  }
0x9f: {  	[timem:s9], [sflag:s23] =	dma.local [hbm:s7], s21  }
0xa0: {  	_ =	swait.ge [sflag:s23], s21  }
0xa1: {  	s6 =	ssub.s32 $0x0, s21;
	[sflag:s23] =	ssyncset.done $0x0  }
0xa2: {  	[sflag:s23] =	ssyncadd.s32 s6;
	_ =	sdelay $0x1  }
0xa3: {  	s24 =	simm.s32 $0x1B8B  }
0xa4: {  	_ =	swait.ge [sflag:s24], $0x1  }
0xa5: {  	[sflag:s24] =	ssyncset.done $0x0  }
0xa6: {  	s25 =	simm.s32 $0x1B8E;
	[sflag:s24] =	ssyncadd.s32 $0xFFFFFFFF  }
0xa7: {  	s26 =	simm.s32 $execute0_lowered;
	[smem:$0x3FD2] =	sst s25  }
0xa8: {  	s6 =	sshll.u32 s26, $0x1;
	_ =	strace $0x80000046;
	[dreg:$0x1] =	wrdreg $0xFFFFFFFF  }
0xa9: {  	s28 =	simm.s32 $_size_execute0_lowered;
	s5 =	sadd.s32 s5, s6;
	[dreg:$0x0] =	wrdreg $0x0  }
0xaa: {  	s6 =	sshll.u32 s28, $0x1;
	[dreg:$0x2] =	wrdreg s5  }
0xab: {  	[dreg:$0x3] =	wrdreg s6  }
0xac: {  	[dreg:$0x4] =	wrdreg $0xC0  }
0xad: {  	_ =	task [dreg:s9], $0x5FFFF  }
0xae: {  	[dreg:$0x1] =	wrdreg $0xFFFFFFFF  }
0xaf: {  	[dreg:$0x0] =	wrdreg $0x60  }
0xb0: {  	[dreg:$0x2] =	wrdreg s2  }
0xb1: {  	[dreg:$0x3] =	wrdreg s19  }
0xb2: {  	[dreg:$0x4] =	wrdreg s4  }
0xb3: {  	[dreg:$0x5] =	wrdreg $0x9  }
0xb4: {  	_ =	task.clear_ibuf [dreg:s9], $0x6FFFF;
	_ =	strace $0x90000046  }
0xb5: {  	s29 =	simm.s32 $0x9;
	_ =	strace $0x80000048  }
0xb6: {  	_ =	swait.ge [sflag:s29], $0x1  }
0xb7: {  	[sflag:s29] =	ssyncadd.s32 $0xFFFFFFFF  }
0xb8: {  	_ =	strace $0x90000048  }
0xb9: {  	_ =	sfence  }
0xba: {  	s30 =	sld [smem:$0x0];
	_ =	sdelay $0x2  }
0xbb: {  	s31 =	sshll.u32 s1, $0xD;
	s1 =	sshrl.u32 s1, $0x2  }
0xbc: {  	s3 =	sand.u32 $0x4000, s31;
	s1 =	sadd.s32 s1, s30  }
0xbd: {  	s0 =	sor.u32 s3, s0;
	s1 =	sshll.u32 s1, $0x11  }
0xbe: {  	s0 =	sor.u32 s1, s0  }
0xbf: {  	s0 =	sadd.s32 $0x8F2B, s0  }
0xc0: {  	[sflag:s0] =	ssyncadd.remote.s32 $0x1  }
0xc1: {  	_ =	sfence.sel $0xFFFF  }
0xc2: {  	[dreg:$0x0] =	wrdreg $0xFFFFFFFF;
	(pc) =	sbr.abs _section_cstart, $3  }
0xc3: {  	[dreg:$0x1] =	wrdreg $0xFFFFFFFF  }
0xc4: {  	_ =	task.clear_ibuf [dreg:s9], $0x2FFFF;
	_ =	strace $0x9FFFFFFF  }
0xc5: {  	(tm) =	ssettm $0x7FFFFFFF  }
tec
execute0_lowered:
.L_overlay_start_1:
0x0: {  	(tag) =	ssettag $0x1  }
0x1: {  	s0 =	rddreg [dreg:$0x0]  }
0x2: {  	s1 =	rddreg [dreg:$0x1]  }
0x3: {  	s3 =	rddreg [dreg:$0x2]  }
0x4: {  	s2 =	srdreg.scid;
	s4 =	simm.s32 $0x0;
	s5 =	stileid.u32  }
0x5: {  	s16 =	simm.s32 $0x1C00;
	s24 =	simm.s32 $0x5C00;
	s13 =	simm.s32 $0xDC00  }
0x6: {  	s15 =	simm.s32 $0x2;
	s17 =	simm.s32 $0x11C00;
	s14 =	simm.s32 $0x3  }
0x7: {  	s10 =	simm.s32 $0x19400;
	s31 =	simm.s32 $0x4;
	s11 =	simm.s32 $0x8  }
0x8: {  	s18 =	simm.s32 $0x7;
	s19 =	simm.s32 $0xB;
	s12 =	simm.s32 $0x0  }
0x9: {  	s2 =	sand.u32 $0x1, s2;
	[smem:$0x7FF] =	sst s4;
	s5 =	sshll.u32 s5, $0x8  }
0xa: {  	s8 =	sadd.s32 $0x100, s1;
	s6 =	sshll.u32 s2, $0x7;
	s2 =	ssub.s32 $0x2, s2  }
0xb: {  	_ =	strace $0x80000047;
	s5 =	sor.u32 s6, s5;
	s25 =	sshrl.u32 s2, $0x1  }
0xc: {  	s7 =	sadd.s32 s0, s5;
	s26 =	sshll.u32 s5, $0x6;
	s2 =	ssub.s32 s2, s25  }
.Ltmp0:
0xd: {  	[dreg:$0x4] =	wrdreg s7;
	s28 =	sadd.s32 $0x6000, s7;
	(pc) =	sbr.rel .LBB2_1-.Ltmp0, $4  }
0xe: {  	s0 =	sadd.s32 s26, s3;
	s30 =	smax.u32 s2, $0x1;
	[dreg:$0x5] =	wrdreg s28  }
0xf: {  	v2 =	vlaneseq.u32;
	s6 =	simm.s32 $0x9;
	s29 =	sadd.s32 $0xC41000, s0;
	[dreg:$0x8] =	wrdreg s30  }
0x10: {  	vm0 =	vmmov $0xffff;
	v1 =	vshrl.u32 v2, $0x3;
	s26 =	simm.s32 $0x15C00;
	s0 =	sadd.s32 $0xC41800, s0;
	[dreg:$0x6] =	wrdreg s29  }
0x11: {  	v0 =	vand.u32 $0x7, v2;
	v2 =	vor.u32 $0x8, v2;
	v1 =	vmul.u32 $0x8, v1;
	s2 =	simm.s32 $0x6;
	[dreg:$0x7] =	wrdreg s0;
	s0 =	simm.s32 $0x5  }
.LBB2_4:
0x12: {  	_ =	swait.ge [sflag:s15], $0x4000  }
0x13: {  	[sflag:s15] =	ssyncset.done $0x0  }
0x14: {  	s7 =	rddreg [dreg:$0x6];
	[sflag:s15] =	ssyncadd.s32 $0xFFFFC000  }
0x15: {  	[hbm4b:s7+s4] =	stream.linear.scatter [tilespmem:s16], [sflag:$0x8], $0x4000, $0x38;
	[tilespmem:$0x19C00] =	vst v63  }
0x16: {  	_ =	swait.ge [sflag:s14], $0x4000  }
0x17: {  	[sflag:s14] =	ssyncset.done $0x0  }
0x18: {  	s25 =	rddreg [dreg:$0x7];
	[sflag:s14] =	ssyncadd.s32 $0xFFFFC000  }
0x19: {  	[hbm4b:s25+s4] =	stream.linear.scatter [tilespmem:s24], [sflag:$0x9], $0x4000, $0x38;
	[tilespmem:$0x19C00] =	vst v63  }
0x1a: {  	_ =	swait.ge [sflag:s11], $0x4000  }
0x1b: {  	[sflag:s11] =	ssyncset.done $0x0  }
0x1c: {  	[sflag:s11] =	ssyncadd.s32 $0xFFFFC000  }
0x1d: {  	_ =	swait.ge [sflag:s6], $0x4000  }
0x1e: {  	[sflag:s6] =	ssyncset.done $0x0  }
0x1f: {  	s28 =	simm.s32 $0xA;
	[sflag:s6] =	ssyncadd.s32 $0xFFFFC000  }
0x20: {  	_ =	swait.ge [sflag:s28], $0x4000  }
0x21: {  	[sflag:s28] =	ssyncset.done $0x0  }
0x22: {  	[sflag:s28] =	ssyncadd.s32 $0xFFFFC000  }
0x23: {  	_ =	swait.ge [sflag:s19], $0x4000  }
0x24: {  	[sflag:s19] =	ssyncset.done $0x0  }
0x25: {  	s29 =	simm.s32 $0xC;
	[sflag:s19] =	ssyncadd.s32 $0xFFFFC000  }
0x26: {  	_ =	swait.ge [sflag:s29], $0x4000  }
0x27: {  	[sflag:s29] =	ssyncset.done $0x0  }
0x28: {  	s9 =	simm.s32 $0xD;
	[sflag:s29] =	ssyncadd.s32 $0xFFFFC000  }
0x29: {  	_ =	swait.ge [sflag:s9], $0x4000  }
0x2a: {  	s12 =	rddreg [dreg:$0x9]  }
0x2b: {  	s30 =	rddreg [dreg:$0x8];
	s12 =	sadd.s32 $0x1, s12  }
0x2c: {  	p0 =	sne.s32 s12, s30  }
.Ltmp1:
0x2d: {  	_ = 	snop;
	(pc) =	sbr.rel @!p0 .LBB2_5-.Ltmp1, $3  }
0x2e: {  	_ =	sdelay $0x1  }
0x2f: {  	[sflag:s9] =	ssyncset.done $0x0  }
0x30: {  	[sflag:s9] =	ssyncadd.s32 $0xFFFFC000  }
.LBB2_1:
0x31: {  	[dreg:$0x9] =	wrdreg s12  }
0x32: {  	s7 =	rddreg [dreg:$0x4];
	s9 =	simm.s32 $0x400;
	s28 =	simm.s32 $0x8000  }
0x33: {  	[tilespmem:s4], [sflag:$0x1] =	stream.strided.gather [hbm4b:s7+s9], $0x1800, s28, s9, $0x38;
	[tilespmem:$0x19C00] =	vst v63  }
0x34: {  	s29 =	rddreg [dreg:$0x5];
	s30 =	simm.s32 $0x1800;
	s9 =	simm.s32 $0x1  }
0x35: {  	[tilespmem:s30], [sflag:$0x1] =	stream.linear.gather [hbm4b:s29+s4], $0x100, $0x38;
	[tilespmem:$0x19C00] =	vst v63  }
0x36: {  	_ =	swait.ge [sflag:s9], $0x1900  }
0x37: {  	[sflag:s9] =	ssyncset.done $0x0  }
0x38: {  	[sflag:s9] =	ssyncadd.s32 $0xFFFFE700  }
0x39: {  	v3 =	vld [tilespmem:$0x0];
	_ =	sdelay $0x4  }
0x3a: {  	v4 =	vshll.u32 v3, $0x2  }
0x3b: {  	v3 =	vand.u32 $0x7, v3;
	v4 =	vand.u32 $0xFFFFFFE0, v4  }
0x3c: {  	v3 =	vor.u32 v3, v4  }
0x3d: {  	v4 =	vperm.xlane v3, v0;
	_ =	sdelay $0x1  }
0x3e: {  	v4 =	vadd.s32 v1, v4;
	_ =	sdelay $0x1  }
0x3f: {  	v3 =	vperm.xlane v3, v2;
	_ =	sdelay $0x1  }
0x40: {  	v3 =	vadd.s32 v1, v3  }
0x41: {  	[tilespmem:s16], [sflag:$0x2] =	stream.indirect_vreg.gather [hbm4b:s1+s4], $0x80, v4, vm0, $0xb8;
	[tilespmem:$0x19C00] =	vst v63  }
0x42: {  	s12 =	simm.s32 $0x2400  }
0x43: {  	[tilespmem:s12], [sflag:$0x2] =	stream.indirect_vreg.gather [hbm4b:s8+s4], $0x80, v4, vm0, $0xb8;
	[tilespmem:$0x19C00] =	vst v63  }
0x44: {  	s20 =	simm.s32 $0x2C00  }
0x45: {  	[tilespmem:s20], [sflag:$0x2] =	stream.indirect_vreg.gather [hbm4b:s1+s4], $0x80, v3, vm0, $0xb8;
	[tilespmem:$0x19C00] =	vst v63  }
0x46: {  	s21 =	simm.s32 $0x3400  }
0x47: {  	[tilespmem:s21], [sflag:$0x2] =	stream.indirect_vreg.gather [hbm4b:s8+s4], $0x80, v3, vm0, $0xb8;
	[tilespmem:$0x19C00] =	vst v63  }
0x48: {  	v3 =	vld [tilespmem:$0x10];
	_ =	sdelay $0x4  }
0x49: {  	v57 =	vshll.u32 v3, $0x2  }
0x4a: {  	v3 =	vand.u32 $0x7, v3;
	v4 =	vand.u32 $0xFFFFFFE0, v57  }
0x4b: {  	v3 =	vor.u32 v3, v4  }
0x4c: {  	v4 =	vperm.xlane v3, v0;
	_ =	sdelay $0x1  }
0x4d: {  	v4 =	vadd.s32 v1, v4;
	_ =	sdelay $0x1  }
0x4e: {  	v3 =	vperm.xlane v3, v2;
	_ =	sdelay $0x1  }
0x4f: {  	s22 =	simm.s32 $0x3C00;
	v3 =	vadd.s32 v1, v3  }
0x50: {  	[tilespmem:s22], [sflag:$0x2] =	stream.indirect_vreg.gather [hbm4b:s1+s4], $0x80, v4, vm0, $0xb8;
	[tilespmem:$0x19C00] =	vst v63  }
0x51: {  	s23 =	simm.s32 $0x4400  }
0x52: {  	[tilespmem:s23], [sflag:$0x2] =	stream.indirect_vreg.gather [hbm4b:s8+s4], $0x80, v4, vm0, $0xb8;
	[tilespmem:$0x19C00] =	vst v63  }
0x53: {  	s25 =	simm.s32 $0x4C00  }
0x54: {  	[tilespmem:s25], [sflag:$0x2] =	stream.indirect_vreg.gather [hbm4b:s1+s4], $0x80, v3, vm0, $0xb8;
	[tilespmem:$0x19C00] =	vst v63  }
0x55: {  	s28 =	simm.s32 $0x5400  }
0x56: {  	[tilespmem:s28], [sflag:$0x2] =	stream.indirect_vreg.gather [hbm4b:s8+s4], $0x80, v3, vm0, $0xb8;
	[tilespmem:$0x19C00] =	vst v63  }
0x57: {  	v3 =	vld [tilespmem:$0x20];
	_ =	sdelay $0x4  }
0x58: {  	v58 =	vshll.u32 v3, $0x2  }
0x59: {  	v3 =	vand.u32 $0x7, v3;
	v4 =	vand.u32 $0xFFFFFFE0, v58  }
0x5a: {  	v3 =	vor.u32 v3, v4  }
0x5b: {  	v4 =	vperm.xlane v3, v0;
	_ =	sdelay $0x1  }
0x5c: {  	v4 =	vadd.s32 v1, v4;
	_ =	sdelay $0x1  }
0x5d: {  	v3 =	vperm.xlane v3, v2;
	_ =	sdelay $0x1  }
0x5e: {  	v3 =	vadd.s32 v1, v3  }
0x5f: {  	[tilespmem:s24], [sflag:$0x3] =	stream.indirect_vreg.gather [hbm4b:s1+s4], $0x80, v4, vm0, $0xb8;
	[tilespmem:$0x19C00] =	vst v63  }
0x60: {  	s29 =	simm.s32 $0x6400  }
0x61: {  	[tilespmem:s29], [sflag:$0x3] =	stream.indirect_vreg.gather [hbm4b:s8+s4], $0x80, v4, vm0, $0xb8;
	[tilespmem:$0x19C00] =	vst v63  }
0x62: {  	s30 =	simm.s32 $0x6C00  }
0x63: {  	[tilespmem:s30], [sflag:$0x3] =	stream.indirect_vreg.gather [hbm4b:s1+s4], $0x80, v3, vm0, $0xb8;
	[tilespmem:$0x19C00] =	vst v63  }
0x64: {  	s9 =	simm.s32 $0x7400  }
0x65: {  	[tilespmem:s9], [sflag:$0x3] =	stream.indirect_vreg.gather [hbm4b:s8+s4], $0x80, v3, vm0, $0xb8;
	[tilespmem:$0x19C00] =	vst v63  }
0x66: {  	v3 =	vld [tilespmem:$0x30];
	_ =	sdelay $0x4  }
0x67: {  	v59 =	vshll.u32 v3, $0x2  }
0x68: {  	v3 =	vand.u32 $0x7, v3;
	v4 =	vand.u32 $0xFFFFFFE0, v59  }
0x69: {  	v3 =	vor.u32 v3, v4  }
0x6a: {  	v4 =	vperm.xlane v3, v0;
	_ =	sdelay $0x1  }
0x6b: {  	v4 =	vadd.s32 v1, v4;
	_ =	sdelay $0x1  }
0x6c: {  	v3 =	vperm.xlane v3, v2;
	_ =	sdelay $0x1  }
0x6d: {  	s12 =	simm.s32 $0x7C00;
	v3 =	vadd.s32 v1, v3  }
0x6e: {  	[tilespmem:s12], [sflag:$0x3] =	stream.indirect_vreg.gather [hbm4b:s1+s4], $0x80, v4, vm0, $0xb8;
	[tilespmem:$0x19C00] =	vst v63  }
0x6f: {  	s20 =	simm.s32 $0x8400  }
0x70: {  	[tilespmem:s20], [sflag:$0x3] =	stream.indirect_vreg.gather [hbm4b:s8+s4], $0x80, v4, vm0, $0xb8;
	[tilespmem:$0x19C00] =	vst v63  }
0x71: {  	s21 =	simm.s32 $0x8C00  }
0x72: {  	[tilespmem:s21], [sflag:$0x3] =	stream.indirect_vreg.gather [hbm4b:s1+s4], $0x80, v3, vm0, $0xb8;
	[tilespmem:$0x19C00] =	vst v63  }
0x73: {  	s22 =	simm.s32 $0x9400  }
0x74: {  	[tilespmem:s22], [sflag:$0x3] =	stream.indirect_vreg.gather [hbm4b:s8+s4], $0x80, v3, vm0, $0xb8;
	[tilespmem:$0x19C00] =	vst v63  }
0x75: {  	v3 =	vld [tilespmem:$0x40];
	_ =	sdelay $0x4  }
0x76: {  	v60 =	vshll.u32 v3, $0x2  }
0x77: {  	v3 =	vand.u32 $0x7, v3;
	v4 =	vand.u32 $0xFFFFFFE0, v60  }
0x78: {  	v3 =	vor.u32 v3, v4  }
0x79: {  	v4 =	vperm.xlane v3, v0;
	_ =	sdelay $0x1  }
0x7a: {  	v4 =	vadd.s32 v1, v4;
	_ =	sdelay $0x1  }
0x7b: {  	v3 =	vperm.xlane v3, v2;
	_ =	sdelay $0x1  }
0x7c: {  	s23 =	simm.s32 $0x9C00;
	v3 =	vadd.s32 v1, v3  }
0x7d: {  	[tilespmem:s23], [sflag:$0x4] =	stream.indirect_vreg.gather [hbm4b:s1+s4], $0x80, v4, vm0, $0xb8;
	[tilespmem:$0x19C00] =	vst v63  }
0x7e: {  	s25 =	simm.s32 $0xA400  }
0x7f: {  	[tilespmem:s25], [sflag:$0x4] =	stream.indirect_vreg.gather [hbm4b:s8+s4], $0x80, v4, vm0, $0xb8;
	[tilespmem:$0x19C00] =	vst v63  }
0x80: {  	s28 =	simm.s32 $0xAC00  }
0x81: {  	[tilespmem:s28], [sflag:$0x4] =	stream.indirect_vreg.gather [hbm4b:s1+s4], $0x80, v3, vm0, $0xb8;
	[tilespmem:$0x19C00] =	vst v63  }
0x82: {  	s29 =	simm.s32 $0xB400  }
0x83: {  	[tilespmem:s29], [sflag:$0x4] =	stream.indirect_vreg.gather [hbm4b:s8+s4], $0x80, v3, vm0, $0xb8;
	[tilespmem:$0x19C00] =	vst v63  }
0x84: {  	v3 =	vld [tilespmem:$0x50];
	_ =	sdelay $0x4  }
0x85: {  	v61 =	vshll.u32 v3, $0x2  }
0x86: {  	v3 =	vand.u32 $0x7, v3;
	v4 =	vand.u32 $0xFFFFFFE0, v61  }
0x87: {  	v3 =	vor.u32 v3, v4  }
0x88: {  	v4 =	vperm.xlane v3, v0;
	_ =	sdelay $0x1  }
0x89: {  	v4 =	vadd.s32 v1, v4;
	_ =	sdelay $0x1  }
0x8a: {  	v3 =	vperm.xlane v3, v2;
	_ =	sdelay $0x1  }
0x8b: {  	s30 =	simm.s32 $0xBC00;
	v3 =	vadd.s32 v1, v3  }
0x8c: {  	[tilespmem:s30], [sflag:$0x4] =	stream.indirect_vreg.gather [hbm4b:s1+s4], $0x80, v4, vm0, $0xb8;
	[tilespmem:$0x19C00] =	vst v63  }
0x8d: {  	s9 =	simm.s32 $0xC400  }
0x8e: {  	[tilespmem:s9], [sflag:$0x4] =	stream.indirect_vreg.gather [hbm4b:s8+s4], $0x80, v4, vm0, $0xb8;
	[tilespmem:$0x19C00] =	vst v63  }
0x8f: {  	s12 =	simm.s32 $0xCC00  }
0x90: {  	[tilespmem:s12], [sflag:$0x4] =	stream.indirect_vreg.gather [hbm4b:s1+s4], $0x80, v3, vm0, $0xb8;
	[tilespmem:$0x19C00] =	vst v63  }
0x91: {  	s20 =	simm.s32 $0xD400  }
0x92: {  	[tilespmem:s20], [sflag:$0x4] =	stream.indirect_vreg.gather [hbm4b:s8+s4], $0x80, v3, vm0, $0xb8;
	[tilespmem:$0x19C00] =	vst v63  }
0x93: {  	v3 =	vld [tilespmem:$0x60];
	_ =	sdelay $0x4  }
0x94: {  	v62 =	vshll.u32 v3, $0x2  }
0x95: {  	v3 =	vand.u32 $0x7, v3;
	v4 =	vand.u32 $0xFFFFFFE0, v62  }
0x96: {  	v3 =	vor.u32 v3, v4  }
0x97: {  	v4 =	vperm.xlane v3, v0;
	_ =	sdelay $0x1  }
0x98: {  	v4 =	vadd.s32 v1, v4;
	_ =	sdelay $0x1  }
0x99: {  	v3 =	vperm.xlane v3, v2;
	_ =	sdelay $0x1  }
0x9a: {  	v3 =	vadd.s32 v1, v3  }
0x9b: {  	[tilespmem:s13], [sflag:$0x5] =	stream.indirect_vreg.gather [hbm4b:s1+s4], $0x80, v4, vm0, $0xb8;
	[tilespmem:$0x19C00] =	vst v63  }
0x9c: {  	s21 =	simm.s32 $0xE400  }
0x9d: {  	[tilespmem:s21], [sflag:$0x5] =	stream.indirect_vreg.gather [hbm4b:s8+s4], $0x80, v4, vm0, $0xb8;
	[tilespmem:$0x19C00] =	vst v63  }
0x9e: {  	s22 =	simm.s32 $0xEC00  }
0x9f: {  	[tilespmem:s22], [sflag:$0x5] =	stream.indirect_vreg.gather [hbm4b:s1+s4], $0x80, v3, vm0, $0xb8;
	[tilespmem:$0x19C00] =	vst v63  }
0xa0: {  	s23 =	simm.s32 $0xF400  }
0xa1: {  	[tilespmem:s23], [sflag:$0x5] =	stream.indirect_vreg.gather [hbm4b:s8+s4], $0x80, v3, vm0, $0xb8;
	[tilespmem:$0x19C00] =	vst v63  }
0xa2: {  	v3 =	vld [tilespmem:$0x70];
	_ =	sdelay $0x4  }
0xa3: {  	v63 =	vshll.u32 v3, $0x2  }
0xa4: {  	v3 =	vand.u32 $0x7, v3;
	v4 =	vand.u32 $0xFFFFFFE0, v63  }
0xa5: {  	v3 =	vor.u32 v3, v4  }
0xa6: {  	v4 =	vperm.xlane v3, v0;
	_ =	sdelay $0x1  }
0xa7: {  	v4 =	vadd.s32 v1, v4;
	_ =	sdelay $0x1  }
0xa8: {  	v3 =	vperm.xlane v3, v2;
	_ =	sdelay $0x1  }
0xa9: {  	s25 =	simm.s32 $0xFC00;
	v3 =	vadd.s32 v1, v3  }
0xaa: {  	[tilespmem:s25], [sflag:$0x5] =	stream.indirect_vreg.gather [hbm4b:s1+s4], $0x80, v4, vm0, $0xb8;
	[tilespmem:$0x19C00] =	vst v63  }
0xab: {  	s28 =	simm.s32 $0x10400;
	s29 =	simm.s32 $0x10C00  }
0xac: {  	[tilespmem:s28], [sflag:$0x5] =	stream.indirect_vreg.gather [hbm4b:s8+s4], $0x80, v4, vm0, $0xb8;
	[tilespmem:$0x19C00] =	vst v63  }
0xad: {  	s30 =	simm.s32 $0x11400;
	s20 =	simm.s32 $0x480;
	s21 =	simm.s32 $0x120  }
0xae: {  	[tilespmem:s29], [sflag:$0x5] =	stream.indirect_vreg.gather [hbm4b:s1+s4], $0x80, v3, vm0, $0xb8;
	[tilespmem:$0x19C00] =	vst v63  }
0xaf: {  	s22 =	simm.s32 $0x50000;
	s23 =	simm.s32 $0x0;
	s25 =	simm.s32 $0x0  }
0xb0: {  	[tilespmem:s30], [sflag:$0x5] =	stream.indirect_vreg.gather [hbm4b:s8+s4], $0x80, v3, vm0, $0xb8;
	[tilespmem:$0x19C00] =	vst v63  }
.LBB2_2:
0xb1: {  	s12 =	sand.u32 $0x40, s25  }
0xb2: {  	s7 =	sor.u32 s5, s12  }
0xb3: {  	s28 =	sand.u32 $0xFE00000, s23;
	s29 =	sshll.u32 s7, $0x9  }
0xb4: {  	_ =	swait.ge [sflag:s15], $0x4000;
	s28 =	sor.u32 s28, s29  }
0xb5: {  	[sflag:s15] =	ssyncset.done $0x0;
	s28 =	sshrl.u32 s28, $0x3  }
0xb6: {  	p0 =	seq.s32 s20, $0x480;
	[sflag:s15] =	ssyncadd.s32 $0xFFFFC000;
	s9 =	sadd.s32 s3, s28  }
0xb7: {  	[hbm4b:s9+s4] =	stream.linear.scatter [tilespmem:s16], [sflag:$0x8], $0x4000, $0x38;
	[tilespmem:$0x19C00] =	vst v63  }
0xb8: {  	s29 =	simm.s32 @!p0 $0xC;
	s9 =	sadd.s32 $0xFFFFFD80, s20  }
0xb9: {  	_ =	swait.ge @!p0 [sflag:s29], $0x4000;
	s9 =	sand.u32 $0x1FE00, s9  }
0xba: {  	[sflag:s29] =	ssyncset.done @!p0 $0x0;
	s9 =	sshrl.u32 s9, $0x2  }
0xbb: {  	[sflag:s29] =	ssyncadd.s32 @!p0 $0xFFFFC000;
	s9 =	sor.u32 s12, s9  }
0xbc: {  	v3 =	vld [tilespmem:s9+$0x0];
	_ =	sdelay $0x4  }
0xbd: {  	v4 =	vshll.u32 v3, $0x2  }
0xbe: {  	v3 =	vand.u32 $0x7, v3;
	v4 =	vand.u32 $0xFFFFFFE0, v4  }
0xbf: {  	v3 =	vor.u32 v3, v4  }
0xc0: {  	v4 =	vperm.xlane v3, v0;
	_ =	sdelay $0x1  }
0xc1: {  	v4 =	vadd.s32 v1, v4;
	_ =	sdelay $0x1  }
0xc2: {  	v3 =	vperm.xlane v3, v2;
	_ =	sdelay $0x1  }
0xc3: {  	v3 =	vadd.s32 v1, v3  }
0xc4: {  	[tilespmem:s17], [sflag:$0x6] =	stream.indirect_vreg.gather [hbm4b:s1+s4], $0x80, v4, vm0, $0xb8;
	[tilespmem:$0x19C00] =	vst v63  }
0xc5: {  	s30 =	simm.s32 $0x12400  }
0xc6: {  	[tilespmem:s30], [sflag:$0x6] =	stream.indirect_vreg.gather [hbm4b:s8+s4], $0x80, v4, vm0, $0xb8;
	[tilespmem:$0x19C00] =	vst v63  }
0xc7: {  	s30 =	simm.s32 $0x12C00  }
0xc8: {  	[tilespmem:s30], [sflag:$0x6] =	stream.indirect_vreg.gather [hbm4b:s1+s4], $0x80, v3, vm0, $0xb8;
	[tilespmem:$0x19C00] =	vst v63  }
0xc9: {  	s30 =	simm.s32 $0x13400  }
0xca: {  	[tilespmem:s30], [sflag:$0x6] =	stream.indirect_vreg.gather [hbm4b:s8+s4], $0x80, v3, vm0, $0xb8;
	[tilespmem:$0x19C00] =	vst v63  }
0xcb: {  	v3 =	vld [tilespmem:s9+$0x10];
	_ =	sdelay $0x4  }
0xcc: {  	v57 =	vshll.u32 v3, $0x2  }
0xcd: {  	v3 =	vand.u32 $0x7, v3;
	v4 =	vand.u32 $0xFFFFFFE0, v57  }
0xce: {  	v3 =	vor.u32 v3, v4  }
0xcf: {  	v4 =	vperm.xlane v3, v0;
	_ =	sdelay $0x1  }
0xd0: {  	v4 =	vadd.s32 v1, v4;
	_ =	sdelay $0x1  }
0xd1: {  	v3 =	vperm.xlane v3, v2;
	_ =	sdelay $0x1  }
0xd2: {  	s29 =	simm.s32 $0x13C00;
	v3 =	vadd.s32 v1, v3  }
0xd3: {  	[tilespmem:s29], [sflag:$0x6] =	stream.indirect_vreg.gather [hbm4b:s1+s4], $0x80, v4, vm0, $0xb8;
	[tilespmem:$0x19C00] =	vst v63  }
0xd4: {  	s30 =	simm.s32 $0x14400  }
0xd5: {  	[tilespmem:s30], [sflag:$0x6] =	stream.indirect_vreg.gather [hbm4b:s8+s4], $0x80, v4, vm0, $0xb8;
	[tilespmem:$0x19C00] =	vst v63  }
0xd6: {  	s29 =	simm.s32 $0x14C00  }
0xd7: {  	[tilespmem:s29], [sflag:$0x6] =	stream.indirect_vreg.gather [hbm4b:s1+s4], $0x80, v3, vm0, $0xb8;
	[tilespmem:$0x19C00] =	vst v63  }
0xd8: {  	s30 =	simm.s32 $0x15400  }
0xd9: {  	[tilespmem:s30], [sflag:$0x6] =	stream.indirect_vreg.gather [hbm4b:s8+s4], $0x80, v3, vm0, $0xb8;
	[tilespmem:$0x19C00] =	vst v63  }
0xda: {  	_ =	swait.ge [sflag:s14], $0x4000  }
0xdb: {  	s29 =	sor.u32 $0x800, s28;
	[sflag:s14] =	ssyncset.done $0x0  }
0xdc: {  	s9 =	sadd.s32 s3, s29;
	[sflag:s14] =	ssyncadd.s32 $0xFFFFC000  }
0xdd: {  	[hbm4b:s9+s4] =	stream.linear.scatter [tilespmem:s24], [sflag:$0x9], $0x4000, $0x38;
	[tilespmem:$0x19C00] =	vst v63  }
0xde: {  	s30 =	sadd.s32 $0xFFFFFE00, s20;
	s9 =	simm.s32 @!p0 $0xD  }
0xdf: {  	s29 =	sadd.s32 $0xFFFFFF80, s21;
	s30 =	sand.u32 $0x1FE00, s30;
	_ =	swait.ge @!p0 [sflag:s9], $0x4000  }
0xe0: {  	s28 =	sand.u32 $0x60, s29;
	s30 =	sshrl.u32 s30, $0x2;
	[sflag:s9] =	ssyncset.done @!p0 $0x0  }
0xe1: {  	[sflag:s9] =	ssyncadd.s32 @!p0 $0xFFFFC000;
	s9 =	sor.u32 s28, s30  }
0xe2: {  	v3 =	vld [tilespmem:s9+$0x0];
	_ =	sdelay $0x4  }
0xe3: {  	v58 =	vshll.u32 v3, $0x2  }
0xe4: {  	v3 =	vand.u32 $0x7, v3;
	v4 =	vand.u32 $0xFFFFFFE0, v58  }
0xe5: {  	v3 =	vor.u32 v3, v4  }
0xe6: {  	v4 =	vperm.xlane v3, v0;
	_ =	sdelay $0x1  }
0xe7: {  	v4 =	vadd.s32 v1, v4;
	_ =	sdelay $0x1  }
0xe8: {  	v3 =	vperm.xlane v3, v2;
	_ =	sdelay $0x1  }
0xe9: {  	v3 =	vadd.s32 v1, v3  }
0xea: {  	[tilespmem:s26], [sflag:$0x7] =	stream.indirect_vreg.gather [hbm4b:s1+s4], $0x80, v4, vm0, $0xb8;
	[tilespmem:$0x19C00] =	vst v63  }
0xeb: {  	s30 =	simm.s32 $0x16400  }
0xec: {  	[tilespmem:s30], [sflag:$0x7] =	stream.indirect_vreg.gather [hbm4b:s8+s4], $0x80, v4, vm0, $0xb8;
	[tilespmem:$0x19C00] =	vst v63  }
0xed: {  	s30 =	simm.s32 $0x16C00  }
0xee: {  	[tilespmem:s30], [sflag:$0x7] =	stream.indirect_vreg.gather [hbm4b:s1+s4], $0x80, v3, vm0, $0xb8;
	[tilespmem:$0x19C00] =	vst v63  }
0xef: {  	s30 =	simm.s32 $0x17400  }
0xf0: {  	[tilespmem:s30], [sflag:$0x7] =	stream.indirect_vreg.gather [hbm4b:s8+s4], $0x80, v3, vm0, $0xb8;
	[tilespmem:$0x19C00] =	vst v63  }
0xf1: {  	v3 =	vld [tilespmem:s9+$0x10];
	_ =	sdelay $0x4  }
0xf2: {  	v59 =	vshll.u32 v3, $0x2  }
0xf3: {  	v3 =	vand.u32 $0x7, v3;
	v4 =	vand.u32 $0xFFFFFFE0, v59  }
0xf4: {  	v3 =	vor.u32 v3, v4  }
0xf5: {  	v4 =	vperm.xlane v3, v0;
	_ =	sdelay $0x1  }
0xf6: {  	v4 =	vadd.s32 v1, v4;
	_ =	sdelay $0x1  }
0xf7: {  	v3 =	vperm.xlane v3, v2;
	_ =	sdelay $0x1  }
0xf8: {  	s29 =	simm.s32 $0x17C00;
	v3 =	vadd.s32 v1, v3  }
0xf9: {  	[tilespmem:s29], [sflag:$0x7] =	stream.indirect_vreg.gather [hbm4b:s1+s4], $0x80, v4, vm0, $0xb8;
	[tilespmem:$0x19C00] =	vst v63  }
0xfa: {  	s30 =	simm.s32 $0x18400  }
0xfb: {  	[tilespmem:s30], [sflag:$0x7] =	stream.indirect_vreg.gather [hbm4b:s8+s4], $0x80, v4, vm0, $0xb8;
	[tilespmem:$0x19C00] =	vst v63  }
0xfc: {  	s9 =	sadd.s32 $0xFFFFFF20, s21;
	s29 =	simm.s32 $0x18C00  }
0xfd: {  	[tilespmem:s29], [sflag:$0x7] =	stream.indirect_vreg.gather [hbm4b:s1+s4], $0x80, v3, vm0, $0xb8;
	[tilespmem:$0x19C00] =	vst v63  }
0xfe: {  	s9 =	sand.u32 $0x40, s9;
	s30 =	sadd.s32 $0xFFFD0000, s22  }
0xff: {  	[tilespmem:s10], [sflag:$0x7] =	stream.indirect_vreg.gather [hbm4b:s8+s4], $0x80, v3, vm0, $0xb8;
	[tilespmem:$0x19C00] =	vst v63  }
0x100: {  	s9 =	sor.u32 s5, s9;
	s29 =	sand.u32 $0x3FC0000, s30;
	_ =	swait.ge [sflag:s31], $0x4000  }
0x101: {  	s9 =	sshll.u32 s9, $0x6;
	s29 =	sadd.s32 s3, s29;
	[sflag:s31] =	ssyncset.done $0x0  }
0x102: {  	s30 =	simm.s32 $0x9C00;
	s9 =	sadd.s32 s9, s29;
	[sflag:s31] =	ssyncadd.s32 $0xFFFFC000  }
0x103: {  	[hbm4b:s9+s4] =	stream.linear.scatter [tilespmem:s30], [sflag:$0xA], $0x4000, $0x38;
	[tilespmem:$0x19C00] =	vst v63  }
0x104: {  	s9 =	sadd.s32 $0xFFFFFE80, s20  }
0x105: {  	s30 =	sadd.s32 $0xFFFFFFA0, s21;
	_ =	swait.ge [sflag:s11], $0x4000;
	s9 =	sand.u32 $0x1FE00, s9  }
0x106: {  	s29 =	sand.u32 $0x40, s30;
	[sflag:s11] =	ssyncset.done $0x0;
	s9 =	sshrl.u32 s9, $0x2  }
0x107: {  	[sflag:s11] =	ssyncadd.s32 $0xFFFFC000;
	s9 =	sor.u32 s29, s9  }
0x108: {  	v3 =	vld [tilespmem:s9+$0x0];
	_ =	sdelay $0x4  }
0x109: {  	v60 =	vshll.u32 v3, $0x2  }
0x10a: {  	v3 =	vand.u32 $0x7, v3;
	v4 =	vand.u32 $0xFFFFFFE0, v60  }
0x10b: {  	v3 =	vor.u32 v3, v4  }
0x10c: {  	v4 =	vperm.xlane v3, v0;
	_ =	sdelay $0x1  }
0x10d: {  	v4 =	vadd.s32 v1, v4;
	_ =	sdelay $0x1  }
0x10e: {  	v3 =	vperm.xlane v3, v2;
	_ =	sdelay $0x1  }
0x10f: {  	v3 =	vadd.s32 v1, v3  }
0x110: {  	[tilespmem:s16], [sflag:$0x2] =	stream.indirect_vreg.gather [hbm4b:s1+s4], $0x80, v4, vm0, $0xb8;
	[tilespmem:$0x19C00] =	vst v63  }
0x111: {  	s30 =	simm.s32 $0x2400  }
0x112: {  	[tilespmem:s30], [sflag:$0x2] =	stream.indirect_vreg.gather [hbm4b:s8+s4], $0x80, v4, vm0, $0xb8;
	[tilespmem:$0x19C00] =	vst v63  }
0x113: {  	s30 =	simm.s32 $0x2C00  }
0x114: {  	[tilespmem:s30], [sflag:$0x2] =	stream.indirect_vreg.gather [hbm4b:s1+s4], $0x80, v3, vm0, $0xb8;
	[tilespmem:$0x19C00] =	vst v63  }
0x115: {  	s30 =	simm.s32 $0x3400  }
0x116: {  	[tilespmem:s30], [sflag:$0x2] =	stream.indirect_vreg.gather [hbm4b:s8+s4], $0x80, v3, vm0, $0xb8;
	[tilespmem:$0x19C00] =	vst v63  }
0x117: {  	v3 =	vld [tilespmem:s9+$0x10];
	_ =	sdelay $0x4  }
0x118: {  	v61 =	vshll.u32 v3, $0x2  }
0x119: {  	v3 =	vand.u32 $0x7, v3;
	v4 =	vand.u32 $0xFFFFFFE0, v61  }
0x11a: {  	v3 =	vor.u32 v3, v4  }
0x11b: {  	v4 =	vperm.xlane v3, v0;
	_ =	sdelay $0x1  }
0x11c: {  	v4 =	vadd.s32 v1, v4;
	_ =	sdelay $0x1  }
0x11d: {  	v3 =	vperm.xlane v3, v2;
	_ =	sdelay $0x1  }
0x11e: {  	s30 =	simm.s32 $0x3C00;
	v3 =	vadd.s32 v1, v3  }
0x11f: {  	[tilespmem:s30], [sflag:$0x2] =	stream.indirect_vreg.gather [hbm4b:s1+s4], $0x80, v4, vm0, $0xb8;
	[tilespmem:$0x19C00] =	vst v63  }
0x120: {  	s29 =	simm.s32 $0x4400  }
0x121: {  	[tilespmem:s29], [sflag:$0x2] =	stream.indirect_vreg.gather [hbm4b:s8+s4], $0x80, v4, vm0, $0xb8;
	[tilespmem:$0x19C00] =	vst v63  }
0x122: {  	s9 =	sadd.s32 $0xFFFFFF40, s21;
	s30 =	simm.s32 $0x4C00  }
0x123: {  	[tilespmem:s30], [sflag:$0x2] =	stream.indirect_vreg.gather [hbm4b:s1+s4], $0x80, v3, vm0, $0xb8;
	[tilespmem:$0x19C00] =	vst v63  }
0x124: {  	s9 =	sand.u32 $0x60, s9;
	s29 =	simm.s32 $0x5400;
	s30 =	sadd.s32 $0xFFFE0000, s22  }
0x125: {  	[tilespmem:s29], [sflag:$0x2] =	stream.indirect_vreg.gather [hbm4b:s8+s4], $0x80, v3, vm0, $0xb8;
	[tilespmem:$0x19C00] =	vst v63  }
0x126: {  	s9 =	sor.u32 s5, s9;
	s29 =	sand.u32 $0x3FC0000, s30;
	_ =	swait.ge [sflag:s0], $0x4000  }
0x127: {  	s9 =	sshll.u32 s9, $0x6;
	s29 =	sadd.s32 s3, s29;
	[sflag:s0] =	ssyncset.done $0x0  }
0x128: {  	s9 =	sadd.s32 s9, s29;
	[sflag:s0] =	ssyncadd.s32 $0xFFFFC000  }
0x129: {  	[hbm4b:s9+s4] =	stream.linear.scatter [tilespmem:s13], [sflag:$0xB], $0x4000, $0x38;
	[tilespmem:$0x19C00] =	vst v63  }
0x12a: {  	s9 =	sadd.s32 $0xFFFFFF00, s20  }
0x12b: {  	s30 =	sadd.s32 $0xFFFFFFC0, s21;
	_ =	swait.ge [sflag:s6], $0x4000;
	s9 =	sand.u32 $0x1FE00, s9  }
0x12c: {  	s29 =	sand.u32 $0x60, s30;
	[sflag:s6] =	ssyncset.done $0x0;
	s9 =	sshrl.u32 s9, $0x2  }
0x12d: {  	s9 =	sor.u32 s29, s9;
	[sflag:s6] =	ssyncadd.s32 $0xFFFFC000  }
0x12e: {  	v3 =	vld [tilespmem:s9+$0x0];
	_ =	sdelay $0x4  }
0x12f: {  	v62 =	vshll.u32 v3, $0x2  }
0x130: {  	v3 =	vand.u32 $0x7, v3;
	v4 =	vand.u32 $0xFFFFFFE0, v62  }
0x131: {  	v3 =	vor.u32 v3, v4  }
0x132: {  	v4 =	vperm.xlane v3, v0;
	_ =	sdelay $0x1  }
0x133: {  	v4 =	vadd.s32 v1, v4;
	_ =	sdelay $0x1  }
0x134: {  	v3 =	vperm.xlane v3, v2;
	_ =	sdelay $0x1  }
0x135: {  	v3 =	vadd.s32 v1, v3  }
0x136: {  	[tilespmem:s24], [sflag:$0x3] =	stream.indirect_vreg.gather [hbm4b:s1+s4], $0x80, v4, vm0, $0xb8;
	[tilespmem:$0x19C00] =	vst v63  }
0x137: {  	s30 =	simm.s32 $0x6400  }
0x138: {  	[tilespmem:s30], [sflag:$0x3] =	stream.indirect_vreg.gather [hbm4b:s8+s4], $0x80, v4, vm0, $0xb8;
	[tilespmem:$0x19C00] =	vst v63  }
0x139: {  	s30 =	simm.s32 $0x6C00  }
0x13a: {  	[tilespmem:s30], [sflag:$0x3] =	stream.indirect_vreg.gather [hbm4b:s1+s4], $0x80, v3, vm0, $0xb8;
	[tilespmem:$0x19C00] =	vst v63  }
0x13b: {  	s30 =	simm.s32 $0x7400  }
0x13c: {  	[tilespmem:s30], [sflag:$0x3] =	stream.indirect_vreg.gather [hbm4b:s8+s4], $0x80, v3, vm0, $0xb8;
	[tilespmem:$0x19C00] =	vst v63  }
0x13d: {  	v3 =	vld [tilespmem:s9+$0x10];
	_ =	sdelay $0x4  }
0x13e: {  	v63 =	vshll.u32 v3, $0x2  }
0x13f: {  	v3 =	vand.u32 $0x7, v3;
	v4 =	vand.u32 $0xFFFFFFE0, v63  }
0x140: {  	v3 =	vor.u32 v3, v4  }
0x141: {  	v4 =	vperm.xlane v3, v0;
	_ =	sdelay $0x1  }
0x142: {  	v4 =	vadd.s32 v1, v4;
	_ =	sdelay $0x1  }
0x143: {  	v3 =	vperm.xlane v3, v2;
	_ =	sdelay $0x1  }
0x144: {  	s30 =	simm.s32 $0x7C00;
	v3 =	vadd.s32 v1, v3  }
0x145: {  	[tilespmem:s30], [sflag:$0x3] =	stream.indirect_vreg.gather [hbm4b:s1+s4], $0x80, v4, vm0, $0xb8;
	[tilespmem:$0x19C00] =	vst v63  }
0x146: {  	s29 =	simm.s32 $0x8400  }
0x147: {  	[tilespmem:s29], [sflag:$0x3] =	stream.indirect_vreg.gather [hbm4b:s8+s4], $0x80, v4, vm0, $0xb8;
	[tilespmem:$0x19C00] =	vst v63  }
0x148: {  	s30 =	simm.s32 $0x8C00  }
0x149: {  	[tilespmem:s30], [sflag:$0x3] =	stream.indirect_vreg.gather [hbm4b:s1+s4], $0x80, v3, vm0, $0xb8;
	[tilespmem:$0x19C00] =	vst v63  }
0x14a: {  	s29 =	simm.s32 $0x9400  }
0x14b: {  	[tilespmem:s29], [sflag:$0x3] =	stream.indirect_vreg.gather [hbm4b:s8+s4], $0x80, v3, vm0, $0xb8;
	[tilespmem:$0x19C00] =	vst v63  }
0x14c: {  	s7 =	sshll.u32 s7, $0x6;
	s30 =	sadd.s32 $0xFFFF0000, s22;
	_ =	swait.ge [sflag:s2], $0x4000  }
0x14d: {  	s7 =	sadd.s32 s3, s7;
	s9 =	sand.u32 $0x3FC0000, s30;
	[sflag:s2] =	ssyncset.done $0x0  }
0x14e: {  	p0 =	seq.s32 s20, $0x6480;
	s7 =	sadd.s32 s9, s7;
	[sflag:s2] =	ssyncadd.s32 $0xFFFFC000  }
0x14f: {  	[hbm4b:s7+s4] =	stream.linear.scatter [tilespmem:s17], [sflag:$0xC], $0x4000, $0x38;
	[tilespmem:$0x19C00] =	vst v63  }
0x150: {  	s9 =	sadd.s32 @!p0 $0xFFFFFF80, s20;
	s7 =	simm.s32 @!p0 $0xA  }
0x151: {  	s9 =	sand.u32 @!p0 $0x1FE00, s9;
	_ =	swait.ge @!p0 [sflag:s7], $0x4000  }
0x152: {  	s9 =	sshrl.u32 @!p0 s9, $0x2;
	[sflag:s7] =	ssyncset.done @!p0 $0x0  }
0x153: {  	[sflag:s7] =	ssyncadd.s32 @!p0 $0xFFFFC000;
	s7 =	sor.u32 @!p0 s12, s9  }
0x154: {  	v3 =	vld @!p0 [tilespmem:s7+$0x0];
	_ =	sdelay $0x4  }
0x155: {  	v4 =	vshll.u32 @!p0 v3, $0x2  }
0x156: {  	v5 =	vlaneseq.u32 @!p0;
	v3 =	vand.u32 @!p0 $0x7, v3;
	v4 =	vand.u32 @!p0 $0xFFFFFFE0, v4  }
0x157: {  	v6 =	vshrl.u32 @!p0 v5, $0x3;
	v3 =	vor.u32 @!p0 v3, v4;
	v4 =	vand.u32 @!p0 $0x7, v5  }
0x158: {  	v6 =	vmul.u32 @!p0 $0x8, v6;
	v7 =	vperm.xlane @!p0 v3, v4;
	_ =	sdelay $0x1  }
0x159: {  	v7 =	vadd.s32 @!p0 v6, v7  }
0x15a: {  	v5 =	vor.u32 @!p0 $0x8, v5  }
0x15b: {  	v3 =	vperm.xlane @!p0 v3, v5;
	_ =	sdelay $0x1  }
0x15c: {  	vm1 =	vmmov @!p0 $0xffff;
	s9 =	simm.s32 @!p0 $0x0;
	s12 =	simm.s32 @!p0 $0x9C00;
	v3 =	vadd.s32 @!p0 v6, v3  }
0x15d: {  	[tilespmem:s12], [sflag:$0x4] =	stream.indirect_vreg.gather @!p0 [hbm4b:s1+s9], $0x80, v7, vm1, $0xb8;
	[tilespmem:$0x19C00] =	vst v63  }
0x15e: {  	s12 =	simm.s32 @!p0 $0xA400  }
0x15f: {  	[tilespmem:s12], [sflag:$0x4] =	stream.indirect_vreg.gather @!p0 [hbm4b:s8+s9], $0x80, v7, vm1, $0xb8;
	[tilespmem:$0x19C00] =	vst v63  }
0x160: {  	s12 =	simm.s32 @!p0 $0xAC00  }
0x161: {  	[tilespmem:s12], [sflag:$0x4] =	stream.indirect_vreg.gather @!p0 [hbm4b:s1+s9], $0x80, v3, vm1, $0xb8;
	[tilespmem:$0x19C00] =	vst v63  }
0x162: {  	s12 =	simm.s32 @!p0 $0xB400  }
0x163: {  	[tilespmem:s12], [sflag:$0x4] =	stream.indirect_vreg.gather @!p0 [hbm4b:s8+s9], $0x80, v3, vm1, $0xb8;
	[tilespmem:$0x19C00] =	vst v63  }
0x164: {  	v3 =	vld @!p0 [tilespmem:s7+$0x10];
	_ =	sdelay $0x4  }
0x165: {  	v7 =	vshll.u32 @!p0 v3, $0x2  }
0x166: {  	v3 =	vand.u32 @!p0 $0x7, v3;
	v7 =	vand.u32 @!p0 $0xFFFFFFE0, v7  }
0x167: {  	v3 =	vor.u32 @!p0 v3, v7  }
0x168: {  	v4 =	vperm.xlane @!p0 v3, v4;
	_ =	sdelay $0x1  }
0x169: {  	v4 =	vadd.s32 @!p0 v6, v4;
	_ =	sdelay $0x1  }
0x16a: {  	v3 =	vperm.xlane @!p0 v3, v5;
	_ =	sdelay $0x1  }
0x16b: {  	s7 =	simm.s32 @!p0 $0xBC00;
	v3 =	vadd.s32 @!p0 v6, v3  }
0x16c: {  	[tilespmem:s7], [sflag:$0x4] =	stream.indirect_vreg.gather @!p0 [hbm4b:s1+s9], $0x80, v4, vm1, $0xb8;
	[tilespmem:$0x19C00] =	vst v63  }
0x16d: {  	s7 =	simm.s32 @!p0 $0xC400  }
0x16e: {  	[tilespmem:s7], [sflag:$0x4] =	stream.indirect_vreg.gather @!p0 [hbm4b:s8+s9], $0x80, v4, vm1, $0xb8;
	[tilespmem:$0x19C00] =	vst v63  }
0x16f: {  	s7 =	simm.s32 @!p0 $0xCC00  }
0x170: {  	[tilespmem:s7], [sflag:$0x4] =	stream.indirect_vreg.gather @!p0 [hbm4b:s1+s9], $0x80, v3, vm1, $0xb8;
	[tilespmem:$0x19C00] =	vst v63  }
0x171: {  	s7 =	simm.s32 @!p0 $0xD400  }
0x172: {  	[tilespmem:s7], [sflag:$0x4] =	stream.indirect_vreg.gather @!p0 [hbm4b:s8+s9], $0x80, v3, vm1, $0xb8;
	[tilespmem:$0x19C00] =	vst v63  }
.Ltmp2:
0x173: {  	_ = 	snop;
	(pc) =	sbr.rel @p0 .LBB2_4-.Ltmp2, $4  }
0x174: {  	s30 =	sor.u32 s5, s28;
	s29 =	sand.u32 $0x3FC0000, s22;
	_ =	swait.ge [sflag:s18], $0x4000  }
0x175: {  	s9 =	sshll.u32 s30, $0x6;
	s7 =	sadd.s32 s3, s29;
	[sflag:s18] =	ssyncset.done $0x0  }
0x176: {  	s7 =	sadd.s32 s9, s7;
	[sflag:s18] =	ssyncadd.s32 $0xFFFFC000  }
0x177: {  	[hbm4b:s7+s4] =	stream.linear.scatter [tilespmem:s26], [sflag:$0xD], $0x4000, $0x38;
	[tilespmem:$0x19C00] =	vst v63  }
0x178: {  	_ =	swait.ge [sflag:s19], $0x4000;
	s7 =	sand.u32 $0x1FE00, s20  }
0x179: {  	s9 =	sand.u32 $0x60, s21;
	[sflag:s19] =	ssyncset.done $0x0;
	s7 =	sshrl.u32 s7, $0x2  }
0x17a: {  	[sflag:s19] =	ssyncadd.s32 $0xFFFFC000;
	s7 =	sor.u32 s9, s7  }
0x17b: {  	v3 =	vld [tilespmem:s7+$0x0];
	_ =	sdelay $0x4  }
0x17c: {  	v4 =	vshll.u32 v3, $0x2  }
0x17d: {  	v3 =	vand.u32 $0x7, v3;
	v4 =	vand.u32 $0xFFFFFFE0, v4  }
0x17e: {  	v3 =	vor.u32 v3, v4  }
0x17f: {  	v4 =	vperm.xlane v3, v0;
	_ =	sdelay $0x1  }
0x180: {  	v4 =	vadd.s32 v1, v4;
	_ =	sdelay $0x1  }
0x181: {  	v3 =	vperm.xlane v3, v2;
	_ =	sdelay $0x1  }
0x182: {  	v3 =	vadd.s32 v1, v3  }
0x183: {  	[tilespmem:s13], [sflag:$0x5] =	stream.indirect_vreg.gather [hbm4b:s1+s4], $0x80, v4, vm0, $0xb8;
	[tilespmem:$0x19C00] =	vst v63  }
0x184: {  	s28 =	simm.s32 $0xE400  }
0x185: {  	[tilespmem:s28], [sflag:$0x5] =	stream.indirect_vreg.gather [hbm4b:s8+s4], $0x80, v4, vm0, $0xb8;
	[tilespmem:$0x19C00] =	vst v63  }
0x186: {  	s29 =	simm.s32 $0xEC00  }
0x187: {  	[tilespmem:s29], [sflag:$0x5] =	stream.indirect_vreg.gather [hbm4b:s1+s4], $0x80, v3, vm0, $0xb8;
	[tilespmem:$0x19C00] =	vst v63  }
0x188: {  	s30 =	simm.s32 $0xF400  }
0x189: {  	[tilespmem:s30], [sflag:$0x5] =	stream.indirect_vreg.gather [hbm4b:s8+s4], $0x80, v3, vm0, $0xb8;
	[tilespmem:$0x19C00] =	vst v63  }
0x18a: {  	v3 =	vld [tilespmem:s7+$0x10];
	_ =	sdelay $0x4  }
0x18b: {  	v63 =	vshll.u32 v3, $0x2  }
0x18c: {  	v3 =	vand.u32 $0x7, v3;
	v4 =	vand.u32 $0xFFFFFFE0, v63  }
0x18d: {  	v3 =	vor.u32 v3, v4  }
0x18e: {  	v4 =	vperm.xlane v3, v0;
	_ =	sdelay $0x1  }
0x18f: {  	v4 =	vadd.s32 v1, v4;
	_ =	sdelay $0x2  }
0x190: {  	v3 =	vperm.xlane v3, v2  }
0x191: {  	s12 =	simm.s32 $0xFC00  }
0x192: {  	v3 =	vadd.s32 v1, v3;
	[tilespmem:s12], [sflag:$0x5] =	stream.indirect_vreg.gather [hbm4b:s1+s4], $0x80, v4, vm0, $0xb8;
	[tilespmem:$0x19C00] =	vst v63  }
0x193: {  	s28 =	simm.s32 $0x10400  }
0x194: {  	[tilespmem:s28], [sflag:$0x5] =	stream.indirect_vreg.gather [hbm4b:s8+s4], $0x80, v4, vm0, $0xb8;
	[tilespmem:$0x19C00] =	vst v63  }
.Ltmp3:
0x195: {  	s20 =	sadd.s32 $0x300, s20;
	(pc) =	sbr.rel .LBB2_2-.Ltmp3, $4  }
0x196: {  	s21 =	sadd.s32 $0xC0, s21;
	s22 =	sadd.s32 $0x60000, s22;
	s29 =	simm.s32 $0x10C00  }
0x197: {  	[tilespmem:s29], [sflag:$0x5] =	stream.indirect_vreg.gather [hbm4b:s1+s4], $0x80, v3, vm0, $0xb8;
	[tilespmem:$0x19C00] =	vst v63  }
0x198: {  	s25 =	sadd.s32 $0x40, s25;
	s23 =	sadd.s32 $0x300000, s23;
	s30 =	simm.s32 $0x11400  }
0x199: {  	[tilespmem:s30], [sflag:$0x5] =	stream.indirect_vreg.gather [hbm4b:s8+s4], $0x80, v3, vm0, $0xb8;
	[tilespmem:$0x19C00] =	vst v63  }
.LBB2_5:
0x19a: {  	_ =	sfence.sel $0x180000  }
0x19b: {  	[bflag:$0x0] =	sbarrier.arrive $0xFFFF  }
0x19c: {  	_ =	strace $0x90000047  }
0x19d: {  	s0 =	stileid.u32;
	[bflag:$0x2] =	sbarrier.arrive $0xFFFF  }
0x19e: {  	p0 =	sne.s32 s0, $0x0;
	s0 =	rddreg [dreg:$0x3]  }
0x19f: {  	s0 =	sadd.s32 @!p0 $0x100000, s0  }
0x1a0: {  	[sflag:s0] =	ssyncadd.tile.s32 @!p0 $0x1;
	_ =	shalt  }
.Lfunc_end2:
_tile_overlayer_lowered:
.L_overlay_start_2:
0x1a1: {  	(tag) =	ssettag $0x2  }
0x1a2: {  	s0 =	rddreg [dreg:$0x0];
	s2 =	stileid.u32  }
0x1a3: {  	s1 =	rddreg [dreg:$0x1];
	p0 =	sne.s32 s2, $0x0  }
0x1a4: {  	s3 =	rddreg [dreg:$0x2];
	[bflag:$0x3] =	sbarrier.arrive $0xFFFF;
	s2 =	simm.s32 @!p0 $0x1C0E  }
0x1a5: {  	[timem:s3], [sflag:s2] =	dma.local @!p0 [hbm:s0], s1  }
0x1a6: {  	s0 =	simm.s32 @!p0 $0xE  }
0x1a7: {  	_ =	swait.ge @!p0 [sflag:s0], s1  }
0x1a8: {  	s1 =	ssub.s32 @!p0 $0x0, s1;
	[sflag:s0] =	ssyncset.done @!p0 $0x0  }
0x1a9: {  	[sflag:s0] =	ssyncadd.s32 @!p0 s1  }
0x1aa: {  	[bflag:$0x3] =	sbarrier.arrive $0xFFFF  }
0x1ab: {  	_ =	shalt  }

</sc_bundles>
